<compile_context>
chip_gen: v7x
topology: tpu7x:2x2x1
jax: 0.10.2.dev20260603
libtpu: 0.0.44.dev20260713+nightly
codegen_flags: <defaults>
</compile_context>

<pallas_src>
import jax
import jax.numpy as jnp
from jax.experimental import pallas as pl
from jax.experimental.pallas import tpu as pltpu

L = 4
K = 1024
D = 32
B = 16384
BETA = 0.01

BB = 512
NSUB = 2
INV_D = 1.0 / D


def _rvq_kernel(x_ref, cb_ref, idx_ref, p0_ref, p1_ref, p2_ref, p3_ref,
                quant_ref, loss_ref, cn_ref, cb1_ref, cb2_ref, cb3_ref):
    p_refs = (p0_ref, p1_ref, p2_ref, p3_ref)

    @pl.when(pl.program_id(0) == 0)
    def _():
        ones_row = jnp.ones((1, D), dtype=jnp.float32)
        for l in range(L):
            cb = cb_ref[l]
            cn_ref[l] = jax.lax.dot_general(
                ones_row, cb * cb, (((1,), (1,)), ((), ())),
                precision=jax.lax.Precision.HIGHEST,
            )
            m1 = cb.astype(jnp.bfloat16)
            r1 = cb - m1.astype(jnp.float32)
            m2 = r1.astype(jnp.bfloat16)
            r2 = r1 - m2.astype(jnp.float32)
            cb1_ref[l] = m1
            cb2_ref[l] = m2
            cb3_ref[l] = r2.astype(jnp.bfloat16)

    hb = BB // NSUB
    iota = jax.lax.broadcasted_iota(jnp.int32, (hb, K), 1)
    for h in range(NSUB):
        rows = pl.ds(h * hb, hb)
        residual = x_ref[rows, :]
        quantized = jnp.zeros_like(residual)
        for l in range(L):
            rn = jnp.sum(residual * residual, axis=1, keepdims=True)
            mm = jax.lax.dot_general(
                residual, cb_ref[l], (((1,), (1,)), ((), ())))
            d = (rn - 2.0 * mm) + cn_ref[l]
            dmin = jnp.min(d, axis=1, keepdims=True)
            idx = jnp.min(jnp.where(d == dmin, iota, K), axis=1,
                          keepdims=True)
            e = jnp.exp(dmin - d)
            p = e * (1.0 / jnp.sum(e, axis=1, keepdims=True))
            p_refs[l][rows, :] = p
            idx_ref[rows, pl.ds(l, 1)] = idx
            m = dmin * INV_D
            loss_ref[rows, pl.ds(l, 1)] = m + BETA * m
            onehot = (iota == idx).astype(jnp.bfloat16)
            dims = (((1,), (0,)), ((), ()))
            q = jax.lax.dot_general(
                onehot, cb1_ref[l], dims,
                preferred_element_type=jnp.float32)
            q = q + jax.lax.dot_general(
                onehot, cb2_ref[l], dims,
                preferred_element_type=jnp.float32)
            q = q + jax.lax.dot_general(
                onehot, cb3_ref[l], dims,
                preferred_element_type=jnp.float32)
            quants = residual + (q - residual)
            residual = residual - quants
            quantized = quantized + quants
        quant_ref[rows, :] = quantized


def _rvq_half(x, codebooks, nb):
    nrows = nb * BB
    out_shapes = (
        jax.ShapeDtypeStruct((nrows, L), jnp.int32),
        jax.ShapeDtypeStruct((nrows, K), jnp.float32),
        jax.ShapeDtypeStruct((nrows, K), jnp.float32),
        jax.ShapeDtypeStruct((nrows, K), jnp.float32),
        jax.ShapeDtypeStruct((nrows, K), jnp.float32),
        jax.ShapeDtypeStruct((nrows, D), jnp.float32),
        jax.ShapeDtypeStruct((nrows, L), jnp.float32),
    )
    small = pl.BlockSpec((BB, L), lambda i: (i, 0))
    big = pl.BlockSpec((BB, K), lambda i: (i, 0))
    idx, p0, p1, p2, p3, quantized, losses = pl.pallas_call(
        _rvq_kernel,
        grid=(nb,),
        in_specs=[
            pl.BlockSpec((BB, D), lambda i: (i, 0)),
            pl.BlockSpec((L, K, D), lambda i: (0, 0, 0)),
        ],
        out_specs=(
            small, big, big, big, big,
            pl.BlockSpec((BB, D), lambda i: (i, 0)),
            small,
        ),
        out_shape=out_shapes,
        scratch_shapes=[
            pltpu.VMEM((L, 1, K), jnp.float32),
            pltpu.VMEM((L, K, D), jnp.bfloat16),
            pltpu.VMEM((L, K, D), jnp.bfloat16),
            pltpu.VMEM((L, K, D), jnp.bfloat16),
        ],
    )(x, codebooks)
    soft_probs = jnp.stack([p0, p1, p2, p3], axis=-1)
    return idx, soft_probs, quantized, losses


@jax.jit
def kernel(x, codebooks):
    return _rvq_half(x, codebooks, B // BB)

# --- scband reference (transcript-rebuilt; emitter-appended) ---
"""Pipeline reference for scband-residual-vector-quantizer-77867757076523 (READ-ONLY COPY).

The authoritative reference and input builder live on the scoring server;
editing this copy changes nothing except your own understanding.
"""

import jax, jax.numpy as jnp
import numpy as np

L = 4
K = 1024
D = 32
B = 16384
BETA = 0.01


def setup_inputs(seed: int = 0) -> dict:
    key = jax.random.key(seed)
    k1, k2 = jax.random.split(key)
    x = jax.random.normal(k1, (B, D), dtype=jnp.float32)
    codebooks = jax.random.normal(k2, (L, K, D), dtype=jnp.float32) * 0.1
    return {"x": x, "codebooks": codebooks}


def _vq_layer(residual, cb, beta):
    # squared L2 distance from each token to each code: [B, K]
    d = (
        jnp.sum(residual ** 2, axis=-1, keepdims=True)
        - 2.0 * residual @ cb.T
        + jnp.sum(cb ** 2, axis=-1)[None, :]
    )
    indices = jnp.argmin(d, axis=-1)                 # [B]
    probs = jax.nn.softmax(-d, axis=-1)              # [B, K] soft assignment
    q = jnp.take(cb, indices, axis=0)                # [B, D] gather
    # per-sample VQ loss: codebook term + beta * commitment term
    loss = (
        jnp.mean((jax.lax.stop_gradient(residual) - q) ** 2, axis=-1)
        + beta * jnp.mean((residual - jax.lax.stop_gradient(q)) ** 2, axis=-1)
    )                                                # [B]
    # straight-through estimator
    quants = residual + jax.lax.stop_gradient(q - residual)
    return indices, probs, quants, loss


def reference(x, codebooks):
    residual = x
    quantized = jnp.zeros_like(x)
    all_indices, all_probs, all_losses = [], [], []
    for l in range(L):
        idx, p, quants, loss = _vq_layer(residual, codebooks[l], BETA)
        residual = residual - quants
        quantized = quantized + quants
        all_indices.append(idx)
        all_probs.append(p)
        all_losses.append(loss)
    hard_indices = jnp.stack(all_indices, axis=-1)   # [B, L]
    soft_probs = jnp.stack(all_probs, axis=-1)       # [B, K, L]
    quant_losses = jnp.stack(all_losses, axis=-1)    # [B, L]
    return hard_indices, soft_probs, quantized, quant_losses

if __name__ == "__main__":
    import jax
    _d = setup_inputs()
    print(jax.jit(kernel)(*tuple(_d.values())))

</pallas_src>

<mosaic_0001>
module attributes {stable_mosaic.version = 14 : i64} {
  func.func @_rvq_kernel(%arg0: i32, %arg1: memref<512x32xf32, #tpu.memory_space<vmem>>, %arg2: memref<4x1024x32xf32, #tpu.memory_space<vmem>>, %arg3: memref<512x4xi32, #tpu.memory_space<vmem>>, %arg4: memref<512x1024xf32, #tpu.memory_space<vmem>>, %arg5: memref<512x1024xf32, #tpu.memory_space<vmem>>, %arg6: memref<512x1024xf32, #tpu.memory_space<vmem>>, %arg7: memref<512x1024xf32, #tpu.memory_space<vmem>>, %arg8: memref<512x32xf32, #tpu.memory_space<vmem>>, %arg9: memref<512x4xf32, #tpu.memory_space<vmem>>, %arg10: memref<4x1x1024xf32, #tpu.memory_space<vmem>>, %arg11: memref<4x1024x32xbf16, #tpu.memory_space<vmem>>, %arg12: memref<4x1024x32xbf16, #tpu.memory_space<vmem>>, %arg13: memref<4x1024x32xbf16, #tpu.memory_space<vmem>>) attributes {dimension_semantics = [#tpu.dimension_semantics<arbitrary>], iteration_bounds = array<i64: 32>, scalar_prefetch = 0 : i64, scratch_operands = 4 : i64, tpu.core_type = #tpu.core_type<tc>, window_params = [{transform_indices = @transform_0, window_bounds = array<i64: 512, 32>}, {pipeline_mode = #tpu.pipeline_mode<synchronous>, transform_indices = @transform_1, window_bounds = array<i64: 4, 1024, 32>}, {transform_indices = @transform_2, window_bounds = array<i64: 512, 4>}, {transform_indices = @transform_3, window_bounds = array<i64: 512, 1024>}, {transform_indices = @transform_4, window_bounds = array<i64: 512, 1024>}, {transform_indices = @transform_5, window_bounds = array<i64: 512, 1024>}, {transform_indices = @transform_6, window_bounds = array<i64: 512, 1024>}, {transform_indices = @transform_7, window_bounds = array<i64: 512, 32>}, {transform_indices = @transform_8, window_bounds = array<i64: 512, 4>}]} {
    %eq3A = arith.constant 0 : i32
    %eq3A_0 = arith.cmpi eq, %arg0, %eq3A : i32
    %convert_element_type3A = arith.extui %eq3A_0 : i1 to i32
    %cond3A = arith.constant 0 : i32
    %cond3A_1 = arith.cmpi ne, %convert_element_type3A, %cond3A : i32
    scf.if %cond3A_1 {
      %broadcast_in_dim3A_747 = arith.constant 1.000000e+00 : f32
      %broadcast_in_dim3A_748 = vector.broadcast %broadcast_in_dim3A_747 : f32 to vector<1x32xf32>
      %get3A_749 = arith.constant 0 : index
      %get3A_750 = arith.constant 0 : index
      %get3A_751 = arith.constant 0 : index
      %get3A_752 = vector.load %arg2[%get3A_749, %get3A_750, %get3A_751] : memref<4x1024x32xf32, #tpu.memory_space<vmem>>, vector<1x1024x32xf32>
      %get3A_753 = vector.shape_cast %get3A_752 : vector<1x1024x32xf32> to vector<1024x32xf32>
      %mul3A_754 = arith.mulf %get3A_753, %get3A_753 : vector<1024x32xf32>
      %dot_general3A_755 = arith.constant dense<0.000000e+00> : vector<1x1024xf32>
      %dot_general3A_756 = tpu.matmul %broadcast_in_dim3A_748, %mul3A_754, %dot_general3A_755 {dimension_numbers = #tpu.dot_dimension_numbers<[1], [1], [0], [0], [0, 0, 1, 0], [], []>, precision = #tpu.contract_precision<fp32>, transpose_lhs_hint = false} : vector<1x32xf32>, vector<1024x32xf32>, vector<1x1024xf32> -> vector<1x1024xf32>
      %swap3A_757 = arith.constant 0 : index
      %swap3A_758 = arith.constant 0 : index
      %swap3A_759 = arith.constant 0 : index
      %swap3A_760 = vector.load %arg10[%swap3A_757, %swap3A_758, %swap3A_759] : memref<4x1x1024xf32, #tpu.memory_space<vmem>>, vector<1x1x1024xf32>
      %swap3A_761 = vector.shape_cast %swap3A_760 : vector<1x1x1024xf32> to vector<1x1024xf32>
      %swap3A_762 = vector.shape_cast %dot_general3A_756 : vector<1x1024xf32> to vector<1x1x1024xf32>
      tpu.vector_store %arg10[%swap3A_757, %swap3A_758, %swap3A_759], %swap3A_762 {strides = array<i32>} : memref<4x1x1024xf32, #tpu.memory_space<vmem>>, vector<1x1x1024xf32>,
      %convert_element_type3A_763 = arith.truncf %get3A_753 : vector<1024x32xf32> to vector<1024x32xbf16>
      %convert_element_type3A_764 = arith.extf %convert_element_type3A_763 : vector<1024x32xbf16> to vector<1024x32xf32>
      %sub3A_765 = arith.subf %get3A_753, %convert_element_type3A_764 : vector<1024x32xf32>
      %convert_element_type3A_766 = arith.truncf %sub3A_765 : vector<1024x32xf32> to vector<1024x32xbf16>
      %convert_element_type3A_767 = arith.extf %convert_element_type3A_766 : vector<1024x32xbf16> to vector<1024x32xf32>
      %sub3A_768 = arith.subf %sub3A_765, %convert_element_type3A_767 : vector<1024x32xf32>
      %swap3A_769 = arith.constant 0 : index
      %swap3A_770 = arith.constant 0 : index
      %swap3A_771 = arith.constant 0 : index
      %swap3A_772 = vector.load %arg11[%swap3A_769, %swap3A_770, %swap3A_771] : memref<4x1024x32xbf16, #tpu.memory_space<vmem>>, vector<1x1024x32xbf16>
      %swap3A_773 = vector.shape_cast %swap3A_772 : vector<1x1024x32xbf16> to vector<1024x32xbf16>
      %swap3A_774 = vector.shape_cast %convert_element_type3A_763 : vector<1024x32xbf16> to vector<1x1024x32xbf16>
      tpu.vector_store %arg11[%swap3A_769, %swap3A_770, %swap3A_771], %swap3A_774 {strides = array<i32>} : memref<4x1024x32xbf16, #tpu.memory_space<vmem>>, vector<1x1024x32xbf16>,
      %swap3A_775 = arith.constant 0 : index
      %swap3A_776 = arith.constant 0 : index
      %swap3A_777 = arith.constant 0 : index
      %swap3A_778 = vector.load %arg12[%swap3A_775, %swap3A_776, %swap3A_777] : memref<4x1024x32xbf16, #tpu.memory_space<vmem>>, vector<1x1024x32xbf16>
      %swap3A_779 = vector.shape_cast %swap3A_778 : vector<1x1024x32xbf16> to vector<1024x32xbf16>
      %swap3A_780 = vector.shape_cast %convert_element_type3A_766 : vector<1024x32xbf16> to vector<1x1024x32xbf16>
      tpu.vector_store %arg12[%swap3A_775, %swap3A_776, %swap3A_777], %swap3A_780 {strides = array<i32>} : memref<4x1024x32xbf16, #tpu.memory_space<vmem>>, vector<1x1024x32xbf16>,
      %convert_element_type3A_781 = arith.truncf %sub3A_768 : vector<1024x32xf32> to vector<1024x32xbf16>
      %swap3A_782 = arith.constant 0 : index
      %swap3A_783 = arith.constant 0 : index
      %swap3A_784 = arith.constant 0 : index
      %swap3A_785 = vector.load %arg13[%swap3A_782, %swap3A_783, %swap3A_784] : memref<4x1024x32xbf16, #tpu.memory_space<vmem>>, vector<1x1024x32xbf16>
      %swap3A_786 = vector.shape_cast %swap3A_785 : vector<1x1024x32xbf16> to vector<1024x32xbf16>
      %swap3A_787 = vector.shape_cast %convert_element_type3A_781 : vector<1024x32xbf16> to vector<1x1024x32xbf16>
      tpu.vector_store %arg13[%swap3A_782, %swap3A_783, %swap3A_784], %swap3A_787 {strides = array<i32>} : memref<4x1024x32xbf16, #tpu.memory_space<vmem>>, vector<1x1024x32xbf16>,
      %get3A_788 = arith.constant 1 : index
      %get3A_789 = arith.constant 0 : index
      %get3A_790 = arith.constant 0 : index
      %get3A_791 = vector.load %arg2[%get3A_788, %get3A_789, %get3A_790] : memref<4x1024x32xf32, #tpu.memory_space<vmem>>, vector<1x1024x32xf32>
      %get3A_792 = vector.shape_cast %get3A_791 : vector<1x1024x32xf32> to vector<1024x32xf32>
      %mul3A_793 = arith.mulf %get3A_792, %get3A_792 : vector<1024x32xf32>
      %dot_general3A_794 = arith.constant dense<0.000000e+00> : vector<1x1024xf32>
      %dot_general3A_795 = tpu.matmul %broadcast_in_dim3A_748, %mul3A_793, %dot_general3A_794 {dimension_numbers = #tpu.dot_dimension_numbers<[1], [1], [0], [0], [0, 0, 1, 0], [], []>, precision = #tpu.contract_precision<fp32>, transpose_lhs_hint = false} : vector<1x32xf32>, vector<1024x32xf32>, vector<1x1024xf32> -> vector<1x1024xf32>
      %swap3A_796 = arith.constant 1 : index
      %swap3A_797 = arith.constant 0 : index
      %swap3A_798 = arith.constant 0 : index
      %swap3A_799 = vector.load %arg10[%swap3A_796, %swap3A_797, %swap3A_798] : memref<4x1x1024xf32, #tpu.memory_space<vmem>>, vector<1x1x1024xf32>
      %swap3A_800 = vector.shape_cast %swap3A_799 : vector<1x1x1024xf32> to vector<1x1024xf32>
      %swap3A_801 = vector.shape_cast %dot_general3A_795 : vector<1x1024xf32> to vector<1x1x1024xf32>
      tpu.vector_store %arg10[%swap3A_796, %swap3A_797, %swap3A_798], %swap3A_801 {strides = array<i32>} : memref<4x1x1024xf32, #tpu.memory_space<vmem>>, vector<1x1x1024xf32>,
      %convert_element_type3A_802 = arith.truncf %get3A_792 : vector<1024x32xf32> to vector<1024x32xbf16>
      %convert_element_type3A_803 = arith.extf %convert_element_type3A_802 : vector<1024x32xbf16> to vector<1024x32xf32>
      %sub3A_804 = arith.subf %get3A_792, %convert_element_type3A_803 : vector<1024x32xf32>
      %convert_element_type3A_805 = arith.truncf %sub3A_804 : vector<1024x32xf32> to vector<1024x32xbf16>
      %convert_element_type3A_806 = arith.extf %convert_element_type3A_805 : vector<1024x32xbf16> to vector<1024x32xf32>
      %sub3A_807 = arith.subf %sub3A_804, %convert_element_type3A_806 : vector<1024x32xf32>
      %swap3A_808 = arith.constant 1 : index
      %swap3A_809 = arith.constant 0 : index
      %swap3A_810 = arith.constant 0 : index
      %swap3A_811 = vector.load %arg11[%swap3A_808, %swap3A_809, %swap3A_810] : memref<4x1024x32xbf16, #tpu.memory_space<vmem>>, vector<1x1024x32xbf16>
      %swap3A_812 = vector.shape_cast %swap3A_811 : vector<1x1024x32xbf16> to vector<1024x32xbf16>
      %swap3A_813 = vector.shape_cast %convert_element_type3A_802 : vector<1024x32xbf16> to vector<1x1024x32xbf16>
      tpu.vector_store %arg11[%swap3A_808, %swap3A_809, %swap3A_810], %swap3A_813 {strides = array<i32>} : memref<4x1024x32xbf16, #tpu.memory_space<vmem>>, vector<1x1024x32xbf16>,
      %swap3A_814 = arith.constant 1 : index
      %swap3A_815 = arith.constant 0 : index
      %swap3A_816 = arith.constant 0 : index
      %swap3A_817 = vector.load %arg12[%swap3A_814, %swap3A_815, %swap3A_816] : memref<4x1024x32xbf16, #tpu.memory_space<vmem>>, vector<1x1024x32xbf16>
      %swap3A_818 = vector.shape_cast %swap3A_817 : vector<1x1024x32xbf16> to vector<1024x32xbf16>
      %swap3A_819 = vector.shape_cast %convert_element_type3A_805 : vector<1024x32xbf16> to vector<1x1024x32xbf16>
      tpu.vector_store %arg12[%swap3A_814, %swap3A_815, %swap3A_816], %swap3A_819 {strides = array<i32>} : memref<4x1024x32xbf16, #tpu.memory_space<vmem>>, vector<1x1024x32xbf16>,
      %convert_element_type3A_820 = arith.truncf %sub3A_807 : vector<1024x32xf32> to vector<1024x32xbf16>
      %swap3A_821 = arith.constant 1 : index
      %swap3A_822 = arith.constant 0 : index
      %swap3A_823 = arith.constant 0 : index
      %swap3A_824 = vector.load %arg13[%swap3A_821, %swap3A_822, %swap3A_823] : memref<4x1024x32xbf16, #tpu.memory_space<vmem>>, vector<1x1024x32xbf16>
      %swap3A_825 = vector.shape_cast %swap3A_824 : vector<1x1024x32xbf16> to vector<1024x32xbf16>
      %swap3A_826 = vector.shape_cast %convert_element_type3A_820 : vector<1024x32xbf16> to vector<1x1024x32xbf16>
      tpu.vector_store %arg13[%swap3A_821, %swap3A_822, %swap3A_823], %swap3A_826 {strides = array<i32>} : memref<4x1024x32xbf16, #tpu.memory_space<vmem>>, vector<1x1024x32xbf16>,
      %get3A_827 = arith.constant 2 : index
      %get3A_828 = arith.constant 0 : index
      %get3A_829 = arith.constant 0 : index
      %get3A_830 = vector.load %arg2[%get3A_827, %get3A_828, %get3A_829] : memref<4x1024x32xf32, #tpu.memory_space<vmem>>, vector<1x1024x32xf32>
      %get3A_831 = vector.shape_cast %get3A_830 : vector<1x1024x32xf32> to vector<1024x32xf32>
      %mul3A_832 = arith.mulf %get3A_831, %get3A_831 : vector<1024x32xf32>
      %dot_general3A_833 = arith.constant dense<0.000000e+00> : vector<1x1024xf32>
      %dot_general3A_834 = tpu.matmul %broadcast_in_dim3A_748, %mul3A_832, %dot_general3A_833 {dimension_numbers = #tpu.dot_dimension_numbers<[1], [1], [0], [0], [0, 0, 1, 0], [], []>, precision = #tpu.contract_precision<fp32>, transpose_lhs_hint = false} : vector<1x32xf32>, vector<1024x32xf32>, vector<1x1024xf32> -> vector<1x1024xf32>
      %swap3A_835 = arith.constant 2 : index
      %swap3A_836 = arith.constant 0 : index
      %swap3A_837 = arith.constant 0 : index
      %swap3A_838 = vector.load %arg10[%swap3A_835, %swap3A_836, %swap3A_837] : memref<4x1x1024xf32, #tpu.memory_space<vmem>>, vector<1x1x1024xf32>
      %swap3A_839 = vector.shape_cast %swap3A_838 : vector<1x1x1024xf32> to vector<1x1024xf32>
      %swap3A_840 = vector.shape_cast %dot_general3A_834 : vector<1x1024xf32> to vector<1x1x1024xf32>
      tpu.vector_store %arg10[%swap3A_835, %swap3A_836, %swap3A_837], %swap3A_840 {strides = array<i32>} : memref<4x1x1024xf32, #tpu.memory_space<vmem>>, vector<1x1x1024xf32>,
      %convert_element_type3A_841 = arith.truncf %get3A_831 : vector<1024x32xf32> to vector<1024x32xbf16>
      %convert_element_type3A_842 = arith.extf %convert_element_type3A_841 : vector<1024x32xbf16> to vector<1024x32xf32>
      %sub3A_843 = arith.subf %get3A_831, %convert_element_type3A_842 : vector<1024x32xf32>
      %convert_element_type3A_844 = arith.truncf %sub3A_843 : vector<1024x32xf32> to vector<1024x32xbf16>
      %convert_element_type3A_845 = arith.extf %convert_element_type3A_844 : vector<1024x32xbf16> to vector<1024x32xf32>
      %sub3A_846 = arith.subf %sub3A_843, %convert_element_type3A_845 : vector<1024x32xf32>
      %swap3A_847 = arith.constant 2 : index
      %swap3A_848 = arith.constant 0 : index
      %swap3A_849 = arith.constant 0 : index
      %swap3A_850 = vector.load %arg11[%swap3A_847, %swap3A_848, %swap3A_849] : memref<4x1024x32xbf16, #tpu.memory_space<vmem>>, vector<1x1024x32xbf16>
      %swap3A_851 = vector.shape_cast %swap3A_850 : vector<1x1024x32xbf16> to vector<1024x32xbf16>
      %swap3A_852 = vector.shape_cast %convert_element_type3A_841 : vector<1024x32xbf16> to vector<1x1024x32xbf16>
      tpu.vector_store %arg11[%swap3A_847, %swap3A_848, %swap3A_849], %swap3A_852 {strides = array<i32>} : memref<4x1024x32xbf16, #tpu.memory_space<vmem>>, vector<1x1024x32xbf16>,
      %swap3A_853 = arith.constant 2 : index
      %swap3A_854 = arith.constant 0 : index
      %swap3A_855 = arith.constant 0 : index
      %swap3A_856 = vector.load %arg12[%swap3A_853, %swap3A_854, %swap3A_855] : memref<4x1024x32xbf16, #tpu.memory_space<vmem>>, vector<1x1024x32xbf16>
      %swap3A_857 = vector.shape_cast %swap3A_856 : vector<1x1024x32xbf16> to vector<1024x32xbf16>
      %swap3A_858 = vector.shape_cast %convert_element_type3A_844 : vector<1024x32xbf16> to vector<1x1024x32xbf16>
      tpu.vector_store %arg12[%swap3A_853, %swap3A_854, %swap3A_855], %swap3A_858 {strides = array<i32>} : memref<4x1024x32xbf16, #tpu.memory_space<vmem>>, vector<1x1024x32xbf16>,
      %convert_element_type3A_859 = arith.truncf %sub3A_846 : vector<1024x32xf32> to vector<1024x32xbf16>
      %swap3A_860 = arith.constant 2 : index
      %swap3A_861 = arith.constant 0 : index
      %swap3A_862 = arith.constant 0 : index
      %swap3A_863 = vector.load %arg13[%swap3A_860, %swap3A_861, %swap3A_862] : memref<4x1024x32xbf16, #tpu.memory_space<vmem>>, vector<1x1024x32xbf16>
      %swap3A_864 = vector.shape_cast %swap3A_863 : vector<1x1024x32xbf16> to vector<1024x32xbf16>
      %swap3A_865 = vector.shape_cast %convert_element_type3A_859 : vector<1024x32xbf16> to vector<1x1024x32xbf16>
      tpu.vector_store %arg13[%swap3A_860, %swap3A_861, %swap3A_862], %swap3A_865 {strides = array<i32>} : memref<4x1024x32xbf16, #tpu.memory_space<vmem>>, vector<1x1024x32xbf16>,
      %get3A_866 = arith.constant 3 : index
      %get3A_867 = arith.constant 0 : index
      %get3A_868 = arith.constant 0 : index
      %get3A_869 = vector.load %arg2[%get3A_866, %get3A_867, %get3A_868] : memref<4x1024x32xf32, #tpu.memory_space<vmem>>, vector<1x1024x32xf32>
      %get3A_870 = vector.shape_cast %get3A_869 : vector<1x1024x32xf32> to vector<1024x32xf32>
      %mul3A_871 = arith.mulf %get3A_870, %get3A_870 : vector<1024x32xf32>
      %dot_general3A_872 = arith.constant dense<0.000000e+00> : vector<1x1024xf32>
      %dot_general3A_873 = tpu.matmul %broadcast_in_dim3A_748, %mul3A_871, %dot_general3A_872 {dimension_numbers = #tpu.dot_dimension_numbers<[1], [1], [0], [0], [0, 0, 1, 0], [], []>, precision = #tpu.contract_precision<fp32>, transpose_lhs_hint = false} : vector<1x32xf32>, vector<1024x32xf32>, vector<1x1024xf32> -> vector<1x1024xf32>
      %swap3A_874 = arith.constant 3 : index
      %swap3A_875 = arith.constant 0 : index
      %swap3A_876 = arith.constant 0 : index
      %swap3A_877 = vector.load %arg10[%swap3A_874, %swap3A_875, %swap3A_876] : memref<4x1x1024xf32, #tpu.memory_space<vmem>>, vector<1x1x1024xf32>
      %swap3A_878 = vector.shape_cast %swap3A_877 : vector<1x1x1024xf32> to vector<1x1024xf32>
      %swap3A_879 = vector.shape_cast %dot_general3A_873 : vector<1x1024xf32> to vector<1x1x1024xf32>
      tpu.vector_store %arg10[%swap3A_874, %swap3A_875, %swap3A_876], %swap3A_879 {strides = array<i32>} : memref<4x1x1024xf32, #tpu.memory_space<vmem>>, vector<1x1x1024xf32>,
      %convert_element_type3A_880 = arith.truncf %get3A_870 : vector<1024x32xf32> to vector<1024x32xbf16>
      %convert_element_type3A_881 = arith.extf %convert_element_type3A_880 : vector<1024x32xbf16> to vector<1024x32xf32>
      %sub3A_882 = arith.subf %get3A_870, %convert_element_type3A_881 : vector<1024x32xf32>
      %convert_element_type3A_883 = arith.truncf %sub3A_882 : vector<1024x32xf32> to vector<1024x32xbf16>
      %convert_element_type3A_884 = arith.extf %convert_element_type3A_883 : vector<1024x32xbf16> to vector<1024x32xf32>
      %sub3A_885 = arith.subf %sub3A_882, %convert_element_type3A_884 : vector<1024x32xf32>
      %swap3A_886 = arith.constant 3 : index
      %swap3A_887 = arith.constant 0 : index
      %swap3A_888 = arith.constant 0 : index
      %swap3A_889 = vector.load %arg11[%swap3A_886, %swap3A_887, %swap3A_888] : memref<4x1024x32xbf16, #tpu.memory_space<vmem>>, vector<1x1024x32xbf16>
      %swap3A_890 = vector.shape_cast %swap3A_889 : vector<1x1024x32xbf16> to vector<1024x32xbf16>
      %swap3A_891 = vector.shape_cast %convert_element_type3A_880 : vector<1024x32xbf16> to vector<1x1024x32xbf16>
      tpu.vector_store %arg11[%swap3A_886, %swap3A_887, %swap3A_888], %swap3A_891 {strides = array<i32>} : memref<4x1024x32xbf16, #tpu.memory_space<vmem>>, vector<1x1024x32xbf16>,
      %swap3A_892 = arith.constant 3 : index
      %swap3A_893 = arith.constant 0 : index
      %swap3A_894 = arith.constant 0 : index
      %swap3A_895 = vector.load %arg12[%swap3A_892, %swap3A_893, %swap3A_894] : memref<4x1024x32xbf16, #tpu.memory_space<vmem>>, vector<1x1024x32xbf16>
      %swap3A_896 = vector.shape_cast %swap3A_895 : vector<1x1024x32xbf16> to vector<1024x32xbf16>
      %swap3A_897 = vector.shape_cast %convert_element_type3A_883 : vector<1024x32xbf16> to vector<1x1024x32xbf16>
      tpu.vector_store %arg12[%swap3A_892, %swap3A_893, %swap3A_894], %swap3A_897 {strides = array<i32>} : memref<4x1024x32xbf16, #tpu.memory_space<vmem>>, vector<1x1024x32xbf16>,
      %convert_element_type3A_898 = arith.truncf %sub3A_885 : vector<1024x32xf32> to vector<1024x32xbf16>
      %swap3A_899 = arith.constant 3 : index
      %swap3A_900 = arith.constant 0 : index
      %swap3A_901 = arith.constant 0 : index
      %swap3A_902 = vector.load %arg13[%swap3A_899, %swap3A_900, %swap3A_901] : memref<4x1024x32xbf16, #tpu.memory_space<vmem>>, vector<1x1024x32xbf16>
      %swap3A_903 = vector.shape_cast %swap3A_902 : vector<1x1024x32xbf16> to vector<1024x32xbf16>
      %swap3A_904 = vector.shape_cast %convert_element_type3A_898 : vector<1024x32xbf16> to vector<1x1024x32xbf16>
      tpu.vector_store %arg13[%swap3A_899, %swap3A_900, %swap3A_901], %swap3A_904 {strides = array<i32>} : memref<4x1024x32xbf16, #tpu.memory_space<vmem>>, vector<1x1024x32xbf16>,
    } else {
    }
    %iota3A = tpu.iota {dimensions = array<i32: 1>} : vector<256x1024xi32>
    %get3A = arith.constant 0 : index
    %get3A_2 = arith.constant 0 : index
    %get3A_3 = vector.load %arg1[%get3A, %get3A_2] : memref<512x32xf32, #tpu.memory_space<vmem>>, vector<256x32xf32>
    %broadcast_in_dim3A = arith.constant 0.000000e+00 : f32
    %broadcast_in_dim3A_4 = vector.broadcast %broadcast_in_dim3A : f32 to vector<256x32xf32>
    %mul3A = arith.mulf %get3A_3, %get3A_3 : vector<256x32xf32>
    %reduce_sum3A = arith.constant dense<0.000000e+00> : vector<256xf32>
    %reduce_sum3A_5 = vector.multi_reduction <add>, %mul3A, %reduce_sum3A [1] : vector<256x32xf32> to vector<256xf32>
    %broadcast_in_dim3A_6 = vector.shape_cast %reduce_sum3A_5 : vector<256xf32> to vector<256x1xf32>
    %get3A_7 = arith.constant 0 : index
    %get3A_8 = arith.constant 0 : index
    %get3A_9 = arith.constant 0 : index
    %get3A_10 = vector.load %arg2[%get3A_7, %get3A_8, %get3A_9] : memref<4x1024x32xf32, #tpu.memory_space<vmem>>, vector<1x1024x32xf32>
    %get3A_11 = vector.shape_cast %get3A_10 : vector<1x1024x32xf32> to vector<1024x32xf32>
    %dot_general3A = arith.constant dense<0.000000e+00> : vector<256x1024xf32>
    %dot_general3A_12 = tpu.matmul %get3A_3, %get3A_11, %dot_general3A {dimension_numbers = #tpu.dot_dimension_numbers<[1], [1], [0], [0], [0, 0, 1, 0], [], []>, transpose_lhs_hint = false} : vector<256x32xf32>, vector<1024x32xf32>, vector<256x1024xf32> -> vector<256x1024xf32>
    %mul3A_13 = arith.constant 2.000000e+00 : f32
    %mul3A_14 = vector.broadcast %mul3A_13 : f32 to vector<256x1024xf32>
    %mul3A_15 = arith.mulf %mul3A_14, %dot_general3A_12 : vector<256x1024xf32>
    %sub3A = vector.broadcast %broadcast_in_dim3A_6 : vector<256x1xf32> to vector<256x1024xf32>
    %sub3A_16 = arith.subf %sub3A, %mul3A_15 : vector<256x1024xf32>
    %get3A_17 = arith.constant 0 : index
    %get3A_18 = arith.constant 0 : index
    %get3A_19 = arith.constant 0 : index
    %get3A_20 = vector.load %arg10[%get3A_17, %get3A_18, %get3A_19] : memref<4x1x1024xf32, #tpu.memory_space<vmem>>, vector<1x1x1024xf32>
    %get3A_21 = vector.shape_cast %get3A_20 : vector<1x1x1024xf32> to vector<1x1024xf32>
    %add3A = vector.broadcast %get3A_21 : vector<1x1024xf32> to vector<256x1024xf32>
    %add3A_22 = arith.addf %sub3A_16, %add3A : vector<256x1024xf32>
    %reduce_min3A = arith.constant dense<0x7F800000> : vector<256xf32>
    %reduce_min3A_23 = vector.multi_reduction <minimumf>, %add3A_22, %reduce_min3A [1] : vector<256x1024xf32> to vector<256xf32>
    %broadcast_in_dim3A_24 = vector.shape_cast %reduce_min3A_23 : vector<256xf32> to vector<256x1xf32>
    %eq3A_25 = vector.broadcast %broadcast_in_dim3A_24 : vector<256x1xf32> to vector<256x1024xf32>
    %eq3A_26 = arith.cmpf oeq, %add3A_22, %eq3A_25 : vector<256x1024xf32>
    %jit3A = arith.constant 1024 : i32
    %broadcast_in_dim3A_27 = vector.broadcast %jit3A : i32 to vector<256x1024xi32>
    %select_n3A = arith.select %eq3A_26, %iota3A, %broadcast_in_dim3A_27 : vector<256x1024xi1>, vector<256x1024xi32>
    %reduce_min3A_28 = arith.constant dense<2147483647> : vector<256xi32>
    %reduce_min3A_29 = vector.multi_reduction <minsi>, %select_n3A, %reduce_min3A_28 [1] : vector<256x1024xi32> to vector<256xi32>
    %broadcast_in_dim3A_30 = vector.shape_cast %reduce_min3A_29 : vector<256xi32> to vector<256x1xi32>
    %sub3A_31 = vector.broadcast %broadcast_in_dim3A_24 : vector<256x1xf32> to vector<256x1024xf32>
    %sub3A_32 = arith.subf %sub3A_31, %add3A_22 : vector<256x1024xf32>
    %exp3A = math.exp %sub3A_32 : vector<256x1024xf32>
    %reduce_sum3A_33 = arith.constant dense<0.000000e+00> : vector<256xf32>
    %reduce_sum3A_34 = vector.multi_reduction <add>, %exp3A, %reduce_sum3A_33 [1] : vector<256x1024xf32> to vector<256xf32>
    %broadcast_in_dim3A_35 = vector.shape_cast %reduce_sum3A_34 : vector<256xf32> to vector<256x1xf32>
    %div3A = arith.constant 1.000000e+00 : f32
    %div3A_36 = vector.broadcast %div3A : f32 to vector<256x1xf32>
    %div3A_37 = arith.divf %div3A_36, %broadcast_in_dim3A_35 : vector<256x1xf32>
    %mul3A_38 = vector.broadcast %div3A_37 : vector<256x1xf32> to vector<256x1024xf32>
    %mul3A_39 = arith.mulf %exp3A, %mul3A_38 : vector<256x1024xf32>
    %swap3A = arith.constant 0 : index
    %swap3A_40 = arith.constant 0 : index
    %swap3A_41 = vector.load %arg4[%swap3A, %swap3A_40] : memref<512x1024xf32, #tpu.memory_space<vmem>>, vector<256x1024xf32>
    tpu.vector_store %arg4[%swap3A, %swap3A_40], %mul3A_39 {strides = array<i32>} : memref<512x1024xf32, #tpu.memory_space<vmem>>, vector<256x1024xf32>,
    %swap3A_42 = arith.constant 0 : index
    %swap3A_43 = arith.constant 0 : index
    %swap3A_44 = vector.load %arg3[%swap3A_42, %swap3A_43] : memref<512x4xi32, #tpu.memory_space<vmem>>, vector<256x1xi32>
    tpu.vector_store %arg3[%swap3A_42, %swap3A_43], %broadcast_in_dim3A_30 {strides = array<i32>} : memref<512x4xi32, #tpu.memory_space<vmem>>, vector<256x1xi32>,
    %mul3A_45 = arith.constant 3.125000e-02 : f32
    %mul3A_46 = vector.broadcast %mul3A_45 : f32 to vector<256x1xf32>
    %mul3A_47 = arith.mulf %broadcast_in_dim3A_24, %mul3A_46 : vector<256x1xf32>
    %mul3A_48 = arith.constant 0.00999999977 : f32
    %mul3A_49 = vector.broadcast %mul3A_48 : f32 to vector<256x1xf32>
    %mul3A_50 = arith.mulf %mul3A_49, %mul3A_47 : vector<256x1xf32>
    %add3A_51 = arith.addf %mul3A_47, %mul3A_50 : vector<256x1xf32>
    %swap3A_52 = arith.constant 0 : index
    %swap3A_53 = arith.constant 0 : index
    %swap3A_54 = vector.load %arg9[%swap3A_52, %swap3A_53] : memref<512x4xf32, #tpu.memory_space<vmem>>, vector<256x1xf32>
    tpu.vector_store %arg9[%swap3A_52, %swap3A_53], %add3A_51 {strides = array<i32>} : memref<512x4xf32, #tpu.memory_space<vmem>>, vector<256x1xf32>,
    %eq3A_55 = vector.broadcast %broadcast_in_dim3A_30 : vector<256x1xi32> to vector<256x1024xi32>
    %eq3A_56 = arith.cmpi eq, %iota3A, %eq3A_55 : vector<256x1024xi32>
    %convert_element_type3A_57 = arith.extui %eq3A_56 : vector<256x1024xi1> to vector<256x1024xi32>
    %convert_element_type3A_58 = arith.sitofp %convert_element_type3A_57 : vector<256x1024xi32> to vector<256x1024xf32>
    %convert_element_type3A_59 = arith.truncf %convert_element_type3A_58 : vector<256x1024xf32> to vector<256x1024xbf16>
    %get3A_60 = arith.constant 0 : index
    %get3A_61 = arith.constant 0 : index
    %get3A_62 = arith.constant 0 : index
    %get3A_63 = vector.load %arg11[%get3A_60, %get3A_61, %get3A_62] : memref<4x1024x32xbf16, #tpu.memory_space<vmem>>, vector<1x1024x32xbf16>
    %get3A_64 = vector.shape_cast %get3A_63 : vector<1x1024x32xbf16> to vector<1024x32xbf16>
    %dot_general3A_65 = arith.constant dense<0.000000e+00> : vector<256x32xf32>
    %dot_general3A_66 = tpu.matmul %convert_element_type3A_59, %get3A_64, %dot_general3A_65 {dimension_numbers = #tpu.dot_dimension_numbers<[1], [0], [0], [1], [0, 0, 1, 1], [], []>, transpose_lhs_hint = false} : vector<256x1024xbf16>, vector<1024x32xbf16>, vector<256x32xf32> -> vector<256x32xf32>
    %get3A_67 = arith.constant 0 : index
    %get3A_68 = arith.constant 0 : index
    %get3A_69 = arith.constant 0 : index
    %get3A_70 = vector.load %arg12[%get3A_67, %get3A_68, %get3A_69] : memref<4x1024x32xbf16, #tpu.memory_space<vmem>>, vector<1x1024x32xbf16>
    %get3A_71 = vector.shape_cast %get3A_70 : vector<1x1024x32xbf16> to vector<1024x32xbf16>
    %dot_general3A_72 = arith.constant dense<0.000000e+00> : vector<256x32xf32>
    %dot_general3A_73 = tpu.matmul %convert_element_type3A_59, %get3A_71, %dot_general3A_72 {dimension_numbers = #tpu.dot_dimension_numbers<[1], [0], [0], [1], [0, 0, 1, 1], [], []>, transpose_lhs_hint = false} : vector<256x1024xbf16>, vector<1024x32xbf16>, vector<256x32xf32> -> vector<256x32xf32>
    %add3A_74 = arith.addf %dot_general3A_66, %dot_general3A_73 : vector<256x32xf32>
    %get3A_75 = arith.constant 0 : index
    %get3A_76 = arith.constant 0 : index
    %get3A_77 = arith.constant 0 : index
    %get3A_78 = vector.load %arg13[%get3A_75, %get3A_76, %get3A_77] : memref<4x1024x32xbf16, #tpu.memory_space<vmem>>, vector<1x1024x32xbf16>
    %get3A_79 = vector.shape_cast %get3A_78 : vector<1x1024x32xbf16> to vector<1024x32xbf16>
    %dot_general3A_80 = arith.constant dense<0.000000e+00> : vector<256x32xf32>
    %dot_general3A_81 = tpu.matmul %convert_element_type3A_59, %get3A_79, %dot_general3A_80 {dimension_numbers = #tpu.dot_dimension_numbers<[1], [0], [0], [1], [0, 0, 1, 1], [], []>, transpose_lhs_hint = false} : vector<256x1024xbf16>, vector<1024x32xbf16>, vector<256x32xf32> -> vector<256x32xf32>
    %add3A_82 = arith.addf %add3A_74, %dot_general3A_81 : vector<256x32xf32>
    %sub3A_83 = arith.subf %add3A_82, %get3A_3 : vector<256x32xf32>
    %add3A_84 = arith.addf %get3A_3, %sub3A_83 : vector<256x32xf32>
    %sub3A_85 = arith.subf %get3A_3, %add3A_84 : vector<256x32xf32>
    %add3A_86 = arith.addf %broadcast_in_dim3A_4, %add3A_84 : vector<256x32xf32>
    %mul3A_87 = arith.mulf %sub3A_85, %sub3A_85 : vector<256x32xf32>
    %reduce_sum3A_88 = arith.constant dense<0.000000e+00> : vector<256xf32>
    %reduce_sum3A_89 = vector.multi_reduction <add>, %mul3A_87, %reduce_sum3A_88 [1] : vector<256x32xf32> to vector<256xf32>
    %broadcast_in_dim3A_90 = vector.shape_cast %reduce_sum3A_89 : vector<256xf32> to vector<256x1xf32>
    %get3A_91 = arith.constant 1 : index
    %get3A_92 = arith.constant 0 : index
    %get3A_93 = arith.constant 0 : index
    %get3A_94 = vector.load %arg2[%get3A_91, %get3A_92, %get3A_93] : memref<4x1024x32xf32, #tpu.memory_space<vmem>>, vector<1x1024x32xf32>
    %get3A_95 = vector.shape_cast %get3A_94 : vector<1x1024x32xf32> to vector<1024x32xf32>
    %dot_general3A_96 = arith.constant dense<0.000000e+00> : vector<256x1024xf32>
    %dot_general3A_97 = tpu.matmul %sub3A_85, %get3A_95, %dot_general3A_96 {dimension_numbers = #tpu.dot_dimension_numbers<[1], [1], [0], [0], [0, 0, 1, 0], [], []>, transpose_lhs_hint = false} : vector<256x32xf32>, vector<1024x32xf32>, vector<256x1024xf32> -> vector<256x1024xf32>
    %mul3A_98 = arith.constant 2.000000e+00 : f32
    %mul3A_99 = vector.broadcast %mul3A_98 : f32 to vector<256x1024xf32>
    %mul3A_100 = arith.mulf %mul3A_99, %dot_general3A_97 : vector<256x1024xf32>
    %sub3A_101 = vector.broadcast %broadcast_in_dim3A_90 : vector<256x1xf32> to vector<256x1024xf32>
    %sub3A_102 = arith.subf %sub3A_101, %mul3A_100 : vector<256x1024xf32>
    %get3A_103 = arith.constant 1 : index
    %get3A_104 = arith.constant 0 : index
    %get3A_105 = arith.constant 0 : index
    %get3A_106 = vector.load %arg10[%get3A_103, %get3A_104, %get3A_105] : memref<4x1x1024xf32, #tpu.memory_space<vmem>>, vector<1x1x1024xf32>
    %get3A_107 = vector.shape_cast %get3A_106 : vector<1x1x1024xf32> to vector<1x1024xf32>
    %add3A_108 = vector.broadcast %get3A_107 : vector<1x1024xf32> to vector<256x1024xf32>
    %add3A_109 = arith.addf %sub3A_102, %add3A_108 : vector<256x1024xf32>
    %reduce_min3A_110 = arith.constant dense<0x7F800000> : vector<256xf32>
    %reduce_min3A_111 = vector.multi_reduction <minimumf>, %add3A_109, %reduce_min3A_110 [1] : vector<256x1024xf32> to vector<256xf32>
    %broadcast_in_dim3A_112 = vector.shape_cast %reduce_min3A_111 : vector<256xf32> to vector<256x1xf32>
    %eq3A_113 = vector.broadcast %broadcast_in_dim3A_112 : vector<256x1xf32> to vector<256x1024xf32>
    %eq3A_114 = arith.cmpf oeq, %add3A_109, %eq3A_113 : vector<256x1024xf32>
    %jit3A_115 = arith.constant 1024 : i32
    %broadcast_in_dim3A_116 = vector.broadcast %jit3A_115 : i32 to vector<256x1024xi32>
    %select_n3A_117 = arith.select %eq3A_114, %iota3A, %broadcast_in_dim3A_116 : vector<256x1024xi1>, vector<256x1024xi32>
    %reduce_min3A_118 = arith.constant dense<2147483647> : vector<256xi32>
    %reduce_min3A_119 = vector.multi_reduction <minsi>, %select_n3A_117, %reduce_min3A_118 [1] : vector<256x1024xi32> to vector<256xi32>
    %broadcast_in_dim3A_120 = vector.shape_cast %reduce_min3A_119 : vector<256xi32> to vector<256x1xi32>
    %sub3A_121 = vector.broadcast %broadcast_in_dim3A_112 : vector<256x1xf32> to vector<256x1024xf32>
    %sub3A_122 = arith.subf %sub3A_121, %add3A_109 : vector<256x1024xf32>
    %exp3A_123 = math.exp %sub3A_122 : vector<256x1024xf32>
    %reduce_sum3A_124 = arith.constant dense<0.000000e+00> : vector<256xf32>
    %reduce_sum3A_125 = vector.multi_reduction <add>, %exp3A_123, %reduce_sum3A_124 [1] : vector<256x1024xf32> to vector<256xf32>
    %broadcast_in_dim3A_126 = vector.shape_cast %reduce_sum3A_125 : vector<256xf32> to vector<256x1xf32>
    %div3A_127 = arith.constant 1.000000e+00 : f32
    %div3A_128 = vector.broadcast %div3A_127 : f32 to vector<256x1xf32>
    %div3A_129 = arith.divf %div3A_128, %broadcast_in_dim3A_126 : vector<256x1xf32>
    %mul3A_130 = vector.broadcast %div3A_129 : vector<256x1xf32> to vector<256x1024xf32>
    %mul3A_131 = arith.mulf %exp3A_123, %mul3A_130 : vector<256x1024xf32>
    %swap3A_132 = arith.constant 0 : index
    %swap3A_133 = arith.constant 0 : index
    %swap3A_134 = vector.load %arg5[%swap3A_132, %swap3A_133] : memref<512x1024xf32, #tpu.memory_space<vmem>>, vector<256x1024xf32>
    tpu.vector_store %arg5[%swap3A_132, %swap3A_133], %mul3A_131 {strides = array<i32>} : memref<512x1024xf32, #tpu.memory_space<vmem>>, vector<256x1024xf32>,
    %swap3A_135 = arith.constant 0 : index
    %swap3A_136 = arith.constant 1 : index
    %swap3A_137 = vector.load %arg3[%swap3A_135, %swap3A_136] : memref<512x4xi32, #tpu.memory_space<vmem>>, vector<256x1xi32>
    tpu.vector_store %arg3[%swap3A_135, %swap3A_136], %broadcast_in_dim3A_120 {strides = array<i32>} : memref<512x4xi32, #tpu.memory_space<vmem>>, vector<256x1xi32>,
    %mul3A_138 = arith.constant 3.125000e-02 : f32
    %mul3A_139 = vector.broadcast %mul3A_138 : f32 to vector<256x1xf32>
    %mul3A_140 = arith.mulf %broadcast_in_dim3A_112, %mul3A_139 : vector<256x1xf32>
    %mul3A_141 = arith.constant 0.00999999977 : f32
    %mul3A_142 = vector.broadcast %mul3A_141 : f32 to vector<256x1xf32>
    %mul3A_143 = arith.mulf %mul3A_142, %mul3A_140 : vector<256x1xf32>
    %add3A_144 = arith.addf %mul3A_140, %mul3A_143 : vector<256x1xf32>
    %swap3A_145 = arith.constant 0 : index
    %swap3A_146 = arith.constant 1 : index
    %swap3A_147 = vector.load %arg9[%swap3A_145, %swap3A_146] : memref<512x4xf32, #tpu.memory_space<vmem>>, vector<256x1xf32>
    tpu.vector_store %arg9[%swap3A_145, %swap3A_146], %add3A_144 {strides = array<i32>} : memref<512x4xf32, #tpu.memory_space<vmem>>, vector<256x1xf32>,
    %eq3A_148 = vector.broadcast %broadcast_in_dim3A_120 : vector<256x1xi32> to vector<256x1024xi32>
    %eq3A_149 = arith.cmpi eq, %iota3A, %eq3A_148 : vector<256x1024xi32>
    %convert_element_type3A_150 = arith.extui %eq3A_149 : vector<256x1024xi1> to vector<256x1024xi32>
    %convert_element_type3A_151 = arith.sitofp %convert_element_type3A_150 : vector<256x1024xi32> to vector<256x1024xf32>
    %convert_element_type3A_152 = arith.truncf %convert_element_type3A_151 : vector<256x1024xf32> to vector<256x1024xbf16>
    %get3A_153 = arith.constant 1 : index
    %get3A_154 = arith.constant 0 : index
    %get3A_155 = arith.constant 0 : index
    %get3A_156 = vector.load %arg11[%get3A_153, %get3A_154, %get3A_155] : memref<4x1024x32xbf16, #tpu.memory_space<vmem>>, vector<1x1024x32xbf16>
    %get3A_157 = vector.shape_cast %get3A_156 : vector<1x1024x32xbf16> to vector<1024x32xbf16>
    %dot_general3A_158 = arith.constant dense<0.000000e+00> : vector<256x32xf32>
    %dot_general3A_159 = tpu.matmul %convert_element_type3A_152, %get3A_157, %dot_general3A_158 {dimension_numbers = #tpu.dot_dimension_numbers<[1], [0], [0], [1], [0, 0, 1, 1], [], []>, transpose_lhs_hint = false} : vector<256x1024xbf16>, vector<1024x32xbf16>, vector<256x32xf32> -> vector<256x32xf32>
    %get3A_160 = arith.constant 1 : index
    %get3A_161 = arith.constant 0 : index
    %get3A_162 = arith.constant 0 : index
    %get3A_163 = vector.load %arg12[%get3A_160, %get3A_161, %get3A_162] : memref<4x1024x32xbf16, #tpu.memory_space<vmem>>, vector<1x1024x32xbf16>
    %get3A_164 = vector.shape_cast %get3A_163 : vector<1x1024x32xbf16> to vector<1024x32xbf16>
    %dot_general3A_165 = arith.constant dense<0.000000e+00> : vector<256x32xf32>
    %dot_general3A_166 = tpu.matmul %convert_element_type3A_152, %get3A_164, %dot_general3A_165 {dimension_numbers = #tpu.dot_dimension_numbers<[1], [0], [0], [1], [0, 0, 1, 1], [], []>, transpose_lhs_hint = false} : vector<256x1024xbf16>, vector<1024x32xbf16>, vector<256x32xf32> -> vector<256x32xf32>
    %add3A_167 = arith.addf %dot_general3A_159, %dot_general3A_166 : vector<256x32xf32>
    %get3A_168 = arith.constant 1 : index
    %get3A_169 = arith.constant 0 : index
    %get3A_170 = arith.constant 0 : index
    %get3A_171 = vector.load %arg13[%get3A_168, %get3A_169, %get3A_170] : memref<4x1024x32xbf16, #tpu.memory_space<vmem>>, vector<1x1024x32xbf16>
    %get3A_172 = vector.shape_cast %get3A_171 : vector<1x1024x32xbf16> to vector<1024x32xbf16>
    %dot_general3A_173 = arith.constant dense<0.000000e+00> : vector<256x32xf32>
    %dot_general3A_174 = tpu.matmul %convert_element_type3A_152, %get3A_172, %dot_general3A_173 {dimension_numbers = #tpu.dot_dimension_numbers<[1], [0], [0], [1], [0, 0, 1, 1], [], []>, transpose_lhs_hint = false} : vector<256x1024xbf16>, vector<1024x32xbf16>, vector<256x32xf32> -> vector<256x32xf32>
    %add3A_175 = arith.addf %add3A_167, %dot_general3A_174 : vector<256x32xf32>
    %sub3A_176 = arith.subf %add3A_175, %sub3A_85 : vector<256x32xf32>
    %add3A_177 = arith.addf %sub3A_85, %sub3A_176 : vector<256x32xf32>
    %sub3A_178 = arith.subf %sub3A_85, %add3A_177 : vector<256x32xf32>
    %add3A_179 = arith.addf %add3A_86, %add3A_177 : vector<256x32xf32>
    %mul3A_180 = arith.mulf %sub3A_178, %sub3A_178 : vector<256x32xf32>
    %reduce_sum3A_181 = arith.constant dense<0.000000e+00> : vector<256xf32>
    %reduce_sum3A_182 = vector.multi_reduction <add>, %mul3A_180, %reduce_sum3A_181 [1] : vector<256x32xf32> to vector<256xf32>
    %broadcast_in_dim3A_183 = vector.shape_cast %reduce_sum3A_182 : vector<256xf32> to vector<256x1xf32>
    %get3A_184 = arith.constant 2 : index
    %get3A_185 = arith.constant 0 : index
    %get3A_186 = arith.constant 0 : index
    %get3A_187 = vector.load %arg2[%get3A_184, %get3A_185, %get3A_186] : memref<4x1024x32xf32, #tpu.memory_space<vmem>>, vector<1x1024x32xf32>
    %get3A_188 = vector.shape_cast %get3A_187 : vector<1x1024x32xf32> to vector<1024x32xf32>
    %dot_general3A_189 = arith.constant dense<0.000000e+00> : vector<256x1024xf32>
    %dot_general3A_190 = tpu.matmul %sub3A_178, %get3A_188, %dot_general3A_189 {dimension_numbers = #tpu.dot_dimension_numbers<[1], [1], [0], [0], [0, 0, 1, 0], [], []>, transpose_lhs_hint = false} : vector<256x32xf32>, vector<1024x32xf32>, vector<256x1024xf32> -> vector<256x1024xf32>
    %mul3A_191 = arith.constant 2.000000e+00 : f32
    %mul3A_192 = vector.broadcast %mul3A_191 : f32 to vector<256x1024xf32>
    %mul3A_193 = arith.mulf %mul3A_192, %dot_general3A_190 : vector<256x1024xf32>
    %sub3A_194 = vector.broadcast %broadcast_in_dim3A_183 : vector<256x1xf32> to vector<256x1024xf32>
    %sub3A_195 = arith.subf %sub3A_194, %mul3A_193 : vector<256x1024xf32>
    %get3A_196 = arith.constant 2 : index
    %get3A_197 = arith.constant 0 : index
    %get3A_198 = arith.constant 0 : index
    %get3A_199 = vector.load %arg10[%get3A_196, %get3A_197, %get3A_198] : memref<4x1x1024xf32, #tpu.memory_space<vmem>>, vector<1x1x1024xf32>
    %get3A_200 = vector.shape_cast %get3A_199 : vector<1x1x1024xf32> to vector<1x1024xf32>
    %add3A_201 = vector.broadcast %get3A_200 : vector<1x1024xf32> to vector<256x1024xf32>
    %add3A_202 = arith.addf %sub3A_195, %add3A_201 : vector<256x1024xf32>
    %reduce_min3A_203 = arith.constant dense<0x7F800000> : vector<256xf32>
    %reduce_min3A_204 = vector.multi_reduction <minimumf>, %add3A_202, %reduce_min3A_203 [1] : vector<256x1024xf32> to vector<256xf32>
    %broadcast_in_dim3A_205 = vector.shape_cast %reduce_min3A_204 : vector<256xf32> to vector<256x1xf32>
    %eq3A_206 = vector.broadcast %broadcast_in_dim3A_205 : vector<256x1xf32> to vector<256x1024xf32>
    %eq3A_207 = arith.cmpf oeq, %add3A_202, %eq3A_206 : vector<256x1024xf32>
    %jit3A_208 = arith.constant 1024 : i32
    %broadcast_in_dim3A_209 = vector.broadcast %jit3A_208 : i32 to vector<256x1024xi32>
    %select_n3A_210 = arith.select %eq3A_207, %iota3A, %broadcast_in_dim3A_209 : vector<256x1024xi1>, vector<256x1024xi32>
    %reduce_min3A_211 = arith.constant dense<2147483647> : vector<256xi32>
    %reduce_min3A_212 = vector.multi_reduction <minsi>, %select_n3A_210, %reduce_min3A_211 [1] : vector<256x1024xi32> to vector<256xi32>
    %broadcast_in_dim3A_213 = vector.shape_cast %reduce_min3A_212 : vector<256xi32> to vector<256x1xi32>
    %sub3A_214 = vector.broadcast %broadcast_in_dim3A_205 : vector<256x1xf32> to vector<256x1024xf32>
    %sub3A_215 = arith.subf %sub3A_214, %add3A_202 : vector<256x1024xf32>
    %exp3A_216 = math.exp %sub3A_215 : vector<256x1024xf32>
    %reduce_sum3A_217 = arith.constant dense<0.000000e+00> : vector<256xf32>
    %reduce_sum3A_218 = vector.multi_reduction <add>, %exp3A_216, %reduce_sum3A_217 [1] : vector<256x1024xf32> to vector<256xf32>
    %broadcast_in_dim3A_219 = vector.shape_cast %reduce_sum3A_218 : vector<256xf32> to vector<256x1xf32>
    %div3A_220 = arith.constant 1.000000e+00 : f32
    %div3A_221 = vector.broadcast %div3A_220 : f32 to vector<256x1xf32>
    %div3A_222 = arith.divf %div3A_221, %broadcast_in_dim3A_219 : vector<256x1xf32>
    %mul3A_223 = vector.broadcast %div3A_222 : vector<256x1xf32> to vector<256x1024xf32>
    %mul3A_224 = arith.mulf %exp3A_216, %mul3A_223 : vector<256x1024xf32>
    %swap3A_225 = arith.constant 0 : index
    %swap3A_226 = arith.constant 0 : index
    %swap3A_227 = vector.load %arg6[%swap3A_225, %swap3A_226] : memref<512x1024xf32, #tpu.memory_space<vmem>>, vector<256x1024xf32>
    tpu.vector_store %arg6[%swap3A_225, %swap3A_226], %mul3A_224 {strides = array<i32>} : memref<512x1024xf32, #tpu.memory_space<vmem>>, vector<256x1024xf32>,
    %swap3A_228 = arith.constant 0 : index
    %swap3A_229 = arith.constant 2 : index
    %swap3A_230 = vector.load %arg3[%swap3A_228, %swap3A_229] : memref<512x4xi32, #tpu.memory_space<vmem>>, vector<256x1xi32>
    tpu.vector_store %arg3[%swap3A_228, %swap3A_229], %broadcast_in_dim3A_213 {strides = array<i32>} : memref<512x4xi32, #tpu.memory_space<vmem>>, vector<256x1xi32>,
    %mul3A_231 = arith.constant 3.125000e-02 : f32
    %mul3A_232 = vector.broadcast %mul3A_231 : f32 to vector<256x1xf32>
    %mul3A_233 = arith.mulf %broadcast_in_dim3A_205, %mul3A_232 : vector<256x1xf32>
    %mul3A_234 = arith.constant 0.00999999977 : f32
    %mul3A_235 = vector.broadcast %mul3A_234 : f32 to vector<256x1xf32>
    %mul3A_236 = arith.mulf %mul3A_235, %mul3A_233 : vector<256x1xf32>
    %add3A_237 = arith.addf %mul3A_233, %mul3A_236 : vector<256x1xf32>
    %swap3A_238 = arith.constant 0 : index
    %swap3A_239 = arith.constant 2 : index
    %swap3A_240 = vector.load %arg9[%swap3A_238, %swap3A_239] : memref<512x4xf32, #tpu.memory_space<vmem>>, vector<256x1xf32>
    tpu.vector_store %arg9[%swap3A_238, %swap3A_239], %add3A_237 {strides = array<i32>} : memref<512x4xf32, #tpu.memory_space<vmem>>, vector<256x1xf32>,
    %eq3A_241 = vector.broadcast %broadcast_in_dim3A_213 : vector<256x1xi32> to vector<256x1024xi32>
    %eq3A_242 = arith.cmpi eq, %iota3A, %eq3A_241 : vector<256x1024xi32>
    %convert_element_type3A_243 = arith.extui %eq3A_242 : vector<256x1024xi1> to vector<256x1024xi32>
    %convert_element_type3A_244 = arith.sitofp %convert_element_type3A_243 : vector<256x1024xi32> to vector<256x1024xf32>
    %convert_element_type3A_245 = arith.truncf %convert_element_type3A_244 : vector<256x1024xf32> to vector<256x1024xbf16>
    %get3A_246 = arith.constant 2 : index
    %get3A_247 = arith.constant 0 : index
    %get3A_248 = arith.constant 0 : index
    %get3A_249 = vector.load %arg11[%get3A_246, %get3A_247, %get3A_248] : memref<4x1024x32xbf16, #tpu.memory_space<vmem>>, vector<1x1024x32xbf16>
    %get3A_250 = vector.shape_cast %get3A_249 : vector<1x1024x32xbf16> to vector<1024x32xbf16>
    %dot_general3A_251 = arith.constant dense<0.000000e+00> : vector<256x32xf32>
    %dot_general3A_252 = tpu.matmul %convert_element_type3A_245, %get3A_250, %dot_general3A_251 {dimension_numbers = #tpu.dot_dimension_numbers<[1], [0], [0], [1], [0, 0, 1, 1], [], []>, transpose_lhs_hint = false} : vector<256x1024xbf16>, vector<1024x32xbf16>, vector<256x32xf32> -> vector<256x32xf32>
    %get3A_253 = arith.constant 2 : index
    %get3A_254 = arith.constant 0 : index
    %get3A_255 = arith.constant 0 : index
    %get3A_256 = vector.load %arg12[%get3A_253, %get3A_254, %get3A_255] : memref<4x1024x32xbf16, #tpu.memory_space<vmem>>, vector<1x1024x32xbf16>
    %get3A_257 = vector.shape_cast %get3A_256 : vector<1x1024x32xbf16> to vector<1024x32xbf16>
    %dot_general3A_258 = arith.constant dense<0.000000e+00> : vector<256x32xf32>
    %dot_general3A_259 = tpu.matmul %convert_element_type3A_245, %get3A_257, %dot_general3A_258 {dimension_numbers = #tpu.dot_dimension_numbers<[1], [0], [0], [1], [0, 0, 1, 1], [], []>, transpose_lhs_hint = false} : vector<256x1024xbf16>, vector<1024x32xbf16>, vector<256x32xf32> -> vector<256x32xf32>
    %add3A_260 = arith.addf %dot_general3A_252, %dot_general3A_259 : vector<256x32xf32>
    %get3A_261 = arith.constant 2 : index
    %get3A_262 = arith.constant 0 : index
    %get3A_263 = arith.constant 0 : index
    %get3A_264 = vector.load %arg13[%get3A_261, %get3A_262, %get3A_263] : memref<4x1024x32xbf16, #tpu.memory_space<vmem>>, vector<1x1024x32xbf16>
    %get3A_265 = vector.shape_cast %get3A_264 : vector<1x1024x32xbf16> to vector<1024x32xbf16>
    %dot_general3A_266 = arith.constant dense<0.000000e+00> : vector<256x32xf32>
    %dot_general3A_267 = tpu.matmul %convert_element_type3A_245, %get3A_265, %dot_general3A_266 {dimension_numbers = #tpu.dot_dimension_numbers<[1], [0], [0], [1], [0, 0, 1, 1], [], []>, transpose_lhs_hint = false} : vector<256x1024xbf16>, vector<1024x32xbf16>, vector<256x32xf32> -> vector<256x32xf32>
    %add3A_268 = arith.addf %add3A_260, %dot_general3A_267 : vector<256x32xf32>
    %sub3A_269 = arith.subf %add3A_268, %sub3A_178 : vector<256x32xf32>
    %add3A_270 = arith.addf %sub3A_178, %sub3A_269 : vector<256x32xf32>
    %sub3A_271 = arith.subf %sub3A_178, %add3A_270 : vector<256x32xf32>
    %add3A_272 = arith.addf %add3A_179, %add3A_270 : vector<256x32xf32>
    %mul3A_273 = arith.mulf %sub3A_271, %sub3A_271 : vector<256x32xf32>
    %reduce_sum3A_274 = arith.constant dense<0.000000e+00> : vector<256xf32>
    %reduce_sum3A_275 = vector.multi_reduction <add>, %mul3A_273, %reduce_sum3A_274 [1] : vector<256x32xf32> to vector<256xf32>
    %broadcast_in_dim3A_276 = vector.shape_cast %reduce_sum3A_275 : vector<256xf32> to vector<256x1xf32>
    %get3A_277 = arith.constant 3 : index
    %get3A_278 = arith.constant 0 : index
    %get3A_279 = arith.constant 0 : index
    %get3A_280 = vector.load %arg2[%get3A_277, %get3A_278, %get3A_279] : memref<4x1024x32xf32, #tpu.memory_space<vmem>>, vector<1x1024x32xf32>
    %get3A_281 = vector.shape_cast %get3A_280 : vector<1x1024x32xf32> to vector<1024x32xf32>
    %dot_general3A_282 = arith.constant dense<0.000000e+00> : vector<256x1024xf32>
    %dot_general3A_283 = tpu.matmul %sub3A_271, %get3A_281, %dot_general3A_282 {dimension_numbers = #tpu.dot_dimension_numbers<[1], [1], [0], [0], [0, 0, 1, 0], [], []>, transpose_lhs_hint = false} : vector<256x32xf32>, vector<1024x32xf32>, vector<256x1024xf32> -> vector<256x1024xf32>
    %mul3A_284 = arith.constant 2.000000e+00 : f32
    %mul3A_285 = vector.broadcast %mul3A_284 : f32 to vector<256x1024xf32>
    %mul3A_286 = arith.mulf %mul3A_285, %dot_general3A_283 : vector<256x1024xf32>
    %sub3A_287 = vector.broadcast %broadcast_in_dim3A_276 : vector<256x1xf32> to vector<256x1024xf32>
    %sub3A_288 = arith.subf %sub3A_287, %mul3A_286 : vector<256x1024xf32>
    %get3A_289 = arith.constant 3 : index
    %get3A_290 = arith.constant 0 : index
    %get3A_291 = arith.constant 0 : index
    %get3A_292 = vector.load %arg10[%get3A_289, %get3A_290, %get3A_291] : memref<4x1x1024xf32, #tpu.memory_space<vmem>>, vector<1x1x1024xf32>
    %get3A_293 = vector.shape_cast %get3A_292 : vector<1x1x1024xf32> to vector<1x1024xf32>
    %add3A_294 = vector.broadcast %get3A_293 : vector<1x1024xf32> to vector<256x1024xf32>
    %add3A_295 = arith.addf %sub3A_288, %add3A_294 : vector<256x1024xf32>
    %reduce_min3A_296 = arith.constant dense<0x7F800000> : vector<256xf32>
    %reduce_min3A_297 = vector.multi_reduction <minimumf>, %add3A_295, %reduce_min3A_296 [1] : vector<256x1024xf32> to vector<256xf32>
    %broadcast_in_dim3A_298 = vector.shape_cast %reduce_min3A_297 : vector<256xf32> to vector<256x1xf32>
    %eq3A_299 = vector.broadcast %broadcast_in_dim3A_298 : vector<256x1xf32> to vector<256x1024xf32>
    %eq3A_300 = arith.cmpf oeq, %add3A_295, %eq3A_299 : vector<256x1024xf32>
    %jit3A_301 = arith.constant 1024 : i32
    %broadcast_in_dim3A_302 = vector.broadcast %jit3A_301 : i32 to vector<256x1024xi32>
    %select_n3A_303 = arith.select %eq3A_300, %iota3A, %broadcast_in_dim3A_302 : vector<256x1024xi1>, vector<256x1024xi32>
    %reduce_min3A_304 = arith.constant dense<2147483647> : vector<256xi32>
    %reduce_min3A_305 = vector.multi_reduction <minsi>, %select_n3A_303, %reduce_min3A_304 [1] : vector<256x1024xi32> to vector<256xi32>
    %broadcast_in_dim3A_306 = vector.shape_cast %reduce_min3A_305 : vector<256xi32> to vector<256x1xi32>
    %sub3A_307 = vector.broadcast %broadcast_in_dim3A_298 : vector<256x1xf32> to vector<256x1024xf32>
    %sub3A_308 = arith.subf %sub3A_307, %add3A_295 : vector<256x1024xf32>
    %exp3A_309 = math.exp %sub3A_308 : vector<256x1024xf32>
    %reduce_sum3A_310 = arith.constant dense<0.000000e+00> : vector<256xf32>
    %reduce_sum3A_311 = vector.multi_reduction <add>, %exp3A_309, %reduce_sum3A_310 [1] : vector<256x1024xf32> to vector<256xf32>
    %broadcast_in_dim3A_312 = vector.shape_cast %reduce_sum3A_311 : vector<256xf32> to vector<256x1xf32>
    %div3A_313 = arith.constant 1.000000e+00 : f32
    %div3A_314 = vector.broadcast %div3A_313 : f32 to vector<256x1xf32>
    %div3A_315 = arith.divf %div3A_314, %broadcast_in_dim3A_312 : vector<256x1xf32>
    %mul3A_316 = vector.broadcast %div3A_315 : vector<256x1xf32> to vector<256x1024xf32>
    %mul3A_317 = arith.mulf %exp3A_309, %mul3A_316 : vector<256x1024xf32>
    %swap3A_318 = arith.constant 0 : index
    %swap3A_319 = arith.constant 0 : index
    %swap3A_320 = vector.load %arg7[%swap3A_318, %swap3A_319] : memref<512x1024xf32, #tpu.memory_space<vmem>>, vector<256x1024xf32>
    tpu.vector_store %arg7[%swap3A_318, %swap3A_319], %mul3A_317 {strides = array<i32>} : memref<512x1024xf32, #tpu.memory_space<vmem>>, vector<256x1024xf32>,
    %swap3A_321 = arith.constant 0 : index
    %swap3A_322 = arith.constant 3 : index
    %swap3A_323 = vector.load %arg3[%swap3A_321, %swap3A_322] : memref<512x4xi32, #tpu.memory_space<vmem>>, vector<256x1xi32>
    tpu.vector_store %arg3[%swap3A_321, %swap3A_322], %broadcast_in_dim3A_306 {strides = array<i32>} : memref<512x4xi32, #tpu.memory_space<vmem>>, vector<256x1xi32>,
    %mul3A_324 = arith.constant 3.125000e-02 : f32
    %mul3A_325 = vector.broadcast %mul3A_324 : f32 to vector<256x1xf32>
    %mul3A_326 = arith.mulf %broadcast_in_dim3A_298, %mul3A_325 : vector<256x1xf32>
    %mul3A_327 = arith.constant 0.00999999977 : f32
    %mul3A_328 = vector.broadcast %mul3A_327 : f32 to vector<256x1xf32>
    %mul3A_329 = arith.mulf %mul3A_328, %mul3A_326 : vector<256x1xf32>
    %add3A_330 = arith.addf %mul3A_326, %mul3A_329 : vector<256x1xf32>
    %swap3A_331 = arith.constant 0 : index
    %swap3A_332 = arith.constant 3 : index
    %swap3A_333 = vector.load %arg9[%swap3A_331, %swap3A_332] : memref<512x4xf32, #tpu.memory_space<vmem>>, vector<256x1xf32>
    tpu.vector_store %arg9[%swap3A_331, %swap3A_332], %add3A_330 {strides = array<i32>} : memref<512x4xf32, #tpu.memory_space<vmem>>, vector<256x1xf32>,
    %eq3A_334 = vector.broadcast %broadcast_in_dim3A_306 : vector<256x1xi32> to vector<256x1024xi32>
    %eq3A_335 = arith.cmpi eq, %iota3A, %eq3A_334 : vector<256x1024xi32>
    %convert_element_type3A_336 = arith.extui %eq3A_335 : vector<256x1024xi1> to vector<256x1024xi32>
    %convert_element_type3A_337 = arith.sitofp %convert_element_type3A_336 : vector<256x1024xi32> to vector<256x1024xf32>
    %convert_element_type3A_338 = arith.truncf %convert_element_type3A_337 : vector<256x1024xf32> to vector<256x1024xbf16>
    %get3A_339 = arith.constant 3 : index
    %get3A_340 = arith.constant 0 : index
    %get3A_341 = arith.constant 0 : index
    %get3A_342 = vector.load %arg11[%get3A_339, %get3A_340, %get3A_341] : memref<4x1024x32xbf16, #tpu.memory_space<vmem>>, vector<1x1024x32xbf16>
    %get3A_343 = vector.shape_cast %get3A_342 : vector<1x1024x32xbf16> to vector<1024x32xbf16>
    %dot_general3A_344 = arith.constant dense<0.000000e+00> : vector<256x32xf32>
    %dot_general3A_345 = tpu.matmul %convert_element_type3A_338, %get3A_343, %dot_general3A_344 {dimension_numbers = #tpu.dot_dimension_numbers<[1], [0], [0], [1], [0, 0, 1, 1], [], []>, transpose_lhs_hint = false} : vector<256x1024xbf16>, vector<1024x32xbf16>, vector<256x32xf32> -> vector<256x32xf32>
    %get3A_346 = arith.constant 3 : index
    %get3A_347 = arith.constant 0 : index
    %get3A_348 = arith.constant 0 : index
    %get3A_349 = vector.load %arg12[%get3A_346, %get3A_347, %get3A_348] : memref<4x1024x32xbf16, #tpu.memory_space<vmem>>, vector<1x1024x32xbf16>
    %get3A_350 = vector.shape_cast %get3A_349 : vector<1x1024x32xbf16> to vector<1024x32xbf16>
    %dot_general3A_351 = arith.constant dense<0.000000e+00> : vector<256x32xf32>
    %dot_general3A_352 = tpu.matmul %convert_element_type3A_338, %get3A_350, %dot_general3A_351 {dimension_numbers = #tpu.dot_dimension_numbers<[1], [0], [0], [1], [0, 0, 1, 1], [], []>, transpose_lhs_hint = false} : vector<256x1024xbf16>, vector<1024x32xbf16>, vector<256x32xf32> -> vector<256x32xf32>
    %add3A_353 = arith.addf %dot_general3A_345, %dot_general3A_352 : vector<256x32xf32>
    %get3A_354 = arith.constant 3 : index
    %get3A_355 = arith.constant 0 : index
    %get3A_356 = arith.constant 0 : index
    %get3A_357 = vector.load %arg13[%get3A_354, %get3A_355, %get3A_356] : memref<4x1024x32xbf16, #tpu.memory_space<vmem>>, vector<1x1024x32xbf16>
    %get3A_358 = vector.shape_cast %get3A_357 : vector<1x1024x32xbf16> to vector<1024x32xbf16>
    %dot_general3A_359 = arith.constant dense<0.000000e+00> : vector<256x32xf32>
    %dot_general3A_360 = tpu.matmul %convert_element_type3A_338, %get3A_358, %dot_general3A_359 {dimension_numbers = #tpu.dot_dimension_numbers<[1], [0], [0], [1], [0, 0, 1, 1], [], []>, transpose_lhs_hint = false} : vector<256x1024xbf16>, vector<1024x32xbf16>, vector<256x32xf32> -> vector<256x32xf32>
    %add3A_361 = arith.addf %add3A_353, %dot_general3A_360 : vector<256x32xf32>
    %sub3A_362 = arith.subf %add3A_361, %sub3A_271 : vector<256x32xf32>
    %add3A_363 = arith.addf %sub3A_271, %sub3A_362 : vector<256x32xf32>
    %add3A_364 = arith.addf %add3A_272, %add3A_363 : vector<256x32xf32>
    %swap3A_365 = arith.constant 0 : index
    %swap3A_366 = arith.constant 0 : index
    %swap3A_367 = vector.load %arg8[%swap3A_365, %swap3A_366] : memref<512x32xf32, #tpu.memory_space<vmem>>, vector<256x32xf32>
    tpu.vector_store %arg8[%swap3A_365, %swap3A_366], %add3A_364 {strides = array<i32>} : memref<512x32xf32, #tpu.memory_space<vmem>>, vector<256x32xf32>,
    %get3A_368 = arith.constant 256 : index
    %get3A_369 = arith.constant 0 : index
    %get3A_370 = vector.load %arg1[%get3A_368, %get3A_369] : memref<512x32xf32, #tpu.memory_space<vmem>>, vector<256x32xf32>
    %broadcast_in_dim3A_371 = arith.constant 0.000000e+00 : f32
    %broadcast_in_dim3A_372 = vector.broadcast %broadcast_in_dim3A_371 : f32 to vector<256x32xf32>
    %mul3A_373 = arith.mulf %get3A_370, %get3A_370 : vector<256x32xf32>
    %reduce_sum3A_374 = arith.constant dense<0.000000e+00> : vector<256xf32>
    %reduce_sum3A_375 = vector.multi_reduction <add>, %mul3A_373, %reduce_sum3A_374 [1] : vector<256x32xf32> to vector<256xf32>
    %broadcast_in_dim3A_376 = vector.shape_cast %reduce_sum3A_375 : vector<256xf32> to vector<256x1xf32>
    %get3A_377 = arith.constant 0 : index
    %get3A_378 = arith.constant 0 : index
    %get3A_379 = arith.constant 0 : index
    %get3A_380 = vector.load %arg2[%get3A_377, %get3A_378, %get3A_379] : memref<4x1024x32xf32, #tpu.memory_space<vmem>>, vector<1x1024x32xf32>
    %get3A_381 = vector.shape_cast %get3A_380 : vector<1x1024x32xf32> to vector<1024x32xf32>
    %dot_general3A_382 = arith.constant dense<0.000000e+00> : vector<256x1024xf32>
    %dot_general3A_383 = tpu.matmul %get3A_370, %get3A_381, %dot_general3A_382 {dimension_numbers = #tpu.dot_dimension_numbers<[1], [1], [0], [0], [0, 0, 1, 0], [], []>, transpose_lhs_hint = false} : vector<256x32xf32>, vector<1024x32xf32>, vector<256x1024xf32> -> vector<256x1024xf32>
    %mul3A_384 = arith.constant 2.000000e+00 : f32
    %mul3A_385 = vector.broadcast %mul3A_384 : f32 to vector<256x1024xf32>
    %mul3A_386 = arith.mulf %mul3A_385, %dot_general3A_383 : vector<256x1024xf32>
    %sub3A_387 = vector.broadcast %broadcast_in_dim3A_376 : vector<256x1xf32> to vector<256x1024xf32>
    %sub3A_388 = arith.subf %sub3A_387, %mul3A_386 : vector<256x1024xf32>
    %get3A_389 = arith.constant 0 : index
    %get3A_390 = arith.constant 0 : index
    %get3A_391 = arith.constant 0 : index
    %get3A_392 = vector.load %arg10[%get3A_389, %get3A_390, %get3A_391] : memref<4x1x1024xf32, #tpu.memory_space<vmem>>, vector<1x1x1024xf32>
    %get3A_393 = vector.shape_cast %get3A_392 : vector<1x1x1024xf32> to vector<1x1024xf32>
    %add3A_394 = vector.broadcast %get3A_393 : vector<1x1024xf32> to vector<256x1024xf32>
    %add3A_395 = arith.addf %sub3A_388, %add3A_394 : vector<256x1024xf32>
    %reduce_min3A_396 = arith.constant dense<0x7F800000> : vector<256xf32>
    %reduce_min3A_397 = vector.multi_reduction <minimumf>, %add3A_395, %reduce_min3A_396 [1] : vector<256x1024xf32> to vector<256xf32>
    %broadcast_in_dim3A_398 = vector.shape_cast %reduce_min3A_397 : vector<256xf32> to vector<256x1xf32>
    %eq3A_399 = vector.broadcast %broadcast_in_dim3A_398 : vector<256x1xf32> to vector<256x1024xf32>
    %eq3A_400 = arith.cmpf oeq, %add3A_395, %eq3A_399 : vector<256x1024xf32>
    %jit3A_401 = arith.constant 1024 : i32
    %broadcast_in_dim3A_402 = vector.broadcast %jit3A_401 : i32 to vector<256x1024xi32>
    %select_n3A_403 = arith.select %eq3A_400, %iota3A, %broadcast_in_dim3A_402 : vector<256x1024xi1>, vector<256x1024xi32>
    %reduce_min3A_404 = arith.constant dense<2147483647> : vector<256xi32>
    %reduce_min3A_405 = vector.multi_reduction <minsi>, %select_n3A_403, %reduce_min3A_404 [1] : vector<256x1024xi32> to vector<256xi32>
    %broadcast_in_dim3A_406 = vector.shape_cast %reduce_min3A_405 : vector<256xi32> to vector<256x1xi32>
    %sub3A_407 = vector.broadcast %broadcast_in_dim3A_398 : vector<256x1xf32> to vector<256x1024xf32>
    %sub3A_408 = arith.subf %sub3A_407, %add3A_395 : vector<256x1024xf32>
    %exp3A_409 = math.exp %sub3A_408 : vector<256x1024xf32>
    %reduce_sum3A_410 = arith.constant dense<0.000000e+00> : vector<256xf32>
    %reduce_sum3A_411 = vector.multi_reduction <add>, %exp3A_409, %reduce_sum3A_410 [1] : vector<256x1024xf32> to vector<256xf32>
    %broadcast_in_dim3A_412 = vector.shape_cast %reduce_sum3A_411 : vector<256xf32> to vector<256x1xf32>
    %div3A_413 = arith.constant 1.000000e+00 : f32
    %div3A_414 = vector.broadcast %div3A_413 : f32 to vector<256x1xf32>
    %div3A_415 = arith.divf %div3A_414, %broadcast_in_dim3A_412 : vector<256x1xf32>
    %mul3A_416 = vector.broadcast %div3A_415 : vector<256x1xf32> to vector<256x1024xf32>
    %mul3A_417 = arith.mulf %exp3A_409, %mul3A_416 : vector<256x1024xf32>
    %swap3A_418 = arith.constant 256 : index
    %swap3A_419 = arith.constant 0 : index
    %swap3A_420 = vector.load %arg4[%swap3A_418, %swap3A_419] : memref<512x1024xf32, #tpu.memory_space<vmem>>, vector<256x1024xf32>
    tpu.vector_store %arg4[%swap3A_418, %swap3A_419], %mul3A_417 {strides = array<i32>} : memref<512x1024xf32, #tpu.memory_space<vmem>>, vector<256x1024xf32>,
    %swap3A_421 = arith.constant 256 : index
    %swap3A_422 = arith.constant 0 : index
    %swap3A_423 = vector.load %arg3[%swap3A_421, %swap3A_422] : memref<512x4xi32, #tpu.memory_space<vmem>>, vector<256x1xi32>
    tpu.vector_store %arg3[%swap3A_421, %swap3A_422], %broadcast_in_dim3A_406 {strides = array<i32>} : memref<512x4xi32, #tpu.memory_space<vmem>>, vector<256x1xi32>,
    %mul3A_424 = arith.constant 3.125000e-02 : f32
    %mul3A_425 = vector.broadcast %mul3A_424 : f32 to vector<256x1xf32>
    %mul3A_426 = arith.mulf %broadcast_in_dim3A_398, %mul3A_425 : vector<256x1xf32>
    %mul3A_427 = arith.constant 0.00999999977 : f32
    %mul3A_428 = vector.broadcast %mul3A_427 : f32 to vector<256x1xf32>
    %mul3A_429 = arith.mulf %mul3A_428, %mul3A_426 : vector<256x1xf32>
    %add3A_430 = arith.addf %mul3A_426, %mul3A_429 : vector<256x1xf32>
    %swap3A_431 = arith.constant 256 : index
    %swap3A_432 = arith.constant 0 : index
    %swap3A_433 = vector.load %arg9[%swap3A_431, %swap3A_432] : memref<512x4xf32, #tpu.memory_space<vmem>>, vector<256x1xf32>
    tpu.vector_store %arg9[%swap3A_431, %swap3A_432], %add3A_430 {strides = array<i32>} : memref<512x4xf32, #tpu.memory_space<vmem>>, vector<256x1xf32>,
    %eq3A_434 = vector.broadcast %broadcast_in_dim3A_406 : vector<256x1xi32> to vector<256x1024xi32>
    %eq3A_435 = arith.cmpi eq, %iota3A, %eq3A_434 : vector<256x1024xi32>
    %convert_element_type3A_436 = arith.extui %eq3A_435 : vector<256x1024xi1> to vector<256x1024xi32>
    %convert_element_type3A_437 = arith.sitofp %convert_element_type3A_436 : vector<256x1024xi32> to vector<256x1024xf32>
    %convert_element_type3A_438 = arith.truncf %convert_element_type3A_437 : vector<256x1024xf32> to vector<256x1024xbf16>
    %get3A_439 = arith.constant 0 : index
    %get3A_440 = arith.constant 0 : index
    %get3A_441 = arith.constant 0 : index
    %get3A_442 = vector.load %arg11[%get3A_439, %get3A_440, %get3A_441] : memref<4x1024x32xbf16, #tpu.memory_space<vmem>>, vector<1x1024x32xbf16>
    %get3A_443 = vector.shape_cast %get3A_442 : vector<1x1024x32xbf16> to vector<1024x32xbf16>
    %dot_general3A_444 = arith.constant dense<0.000000e+00> : vector<256x32xf32>
    %dot_general3A_445 = tpu.matmul %convert_element_type3A_438, %get3A_443, %dot_general3A_444 {dimension_numbers = #tpu.dot_dimension_numbers<[1], [0], [0], [1], [0, 0, 1, 1], [], []>, transpose_lhs_hint = false} : vector<256x1024xbf16>, vector<1024x32xbf16>, vector<256x32xf32> -> vector<256x32xf32>
    %get3A_446 = arith.constant 0 : index
    %get3A_447 = arith.constant 0 : index
    %get3A_448 = arith.constant 0 : index
    %get3A_449 = vector.load %arg12[%get3A_446, %get3A_447, %get3A_448] : memref<4x1024x32xbf16, #tpu.memory_space<vmem>>, vector<1x1024x32xbf16>
    %get3A_450 = vector.shape_cast %get3A_449 : vector<1x1024x32xbf16> to vector<1024x32xbf16>
    %dot_general3A_451 = arith.constant dense<0.000000e+00> : vector<256x32xf32>
    %dot_general3A_452 = tpu.matmul %convert_element_type3A_438, %get3A_450, %dot_general3A_451 {dimension_numbers = #tpu.dot_dimension_numbers<[1], [0], [0], [1], [0, 0, 1, 1], [], []>, transpose_lhs_hint = false} : vector<256x1024xbf16>, vector<1024x32xbf16>, vector<256x32xf32> -> vector<256x32xf32>
    %add3A_453 = arith.addf %dot_general3A_445, %dot_general3A_452 : vector<256x32xf32>
    %get3A_454 = arith.constant 0 : index
    %get3A_455 = arith.constant 0 : index
    %get3A_456 = arith.constant 0 : index
    %get3A_457 = vector.load %arg13[%get3A_454, %get3A_455, %get3A_456] : memref<4x1024x32xbf16, #tpu.memory_space<vmem>>, vector<1x1024x32xbf16>
    %get3A_458 = vector.shape_cast %get3A_457 : vector<1x1024x32xbf16> to vector<1024x32xbf16>
    %dot_general3A_459 = arith.constant dense<0.000000e+00> : vector<256x32xf32>
    %dot_general3A_460 = tpu.matmul %convert_element_type3A_438, %get3A_458, %dot_general3A_459 {dimension_numbers = #tpu.dot_dimension_numbers<[1], [0], [0], [1], [0, 0, 1, 1], [], []>, transpose_lhs_hint = false} : vector<256x1024xbf16>, vector<1024x32xbf16>, vector<256x32xf32> -> vector<256x32xf32>
    %add3A_461 = arith.addf %add3A_453, %dot_general3A_460 : vector<256x32xf32>
    %sub3A_462 = arith.subf %add3A_461, %get3A_370 : vector<256x32xf32>
    %add3A_463 = arith.addf %get3A_370, %sub3A_462 : vector<256x32xf32>
    %sub3A_464 = arith.subf %get3A_370, %add3A_463 : vector<256x32xf32>
    %add3A_465 = arith.addf %broadcast_in_dim3A_372, %add3A_463 : vector<256x32xf32>
    %mul3A_466 = arith.mulf %sub3A_464, %sub3A_464 : vector<256x32xf32>
    %reduce_sum3A_467 = arith.constant dense<0.000000e+00> : vector<256xf32>
    %reduce_sum3A_468 = vector.multi_reduction <add>, %mul3A_466, %reduce_sum3A_467 [1] : vector<256x32xf32> to vector<256xf32>
    %broadcast_in_dim3A_469 = vector.shape_cast %reduce_sum3A_468 : vector<256xf32> to vector<256x1xf32>
    %get3A_470 = arith.constant 1 : index
    %get3A_471 = arith.constant 0 : index
    %get3A_472 = arith.constant 0 : index
    %get3A_473 = vector.load %arg2[%get3A_470, %get3A_471, %get3A_472] : memref<4x1024x32xf32, #tpu.memory_space<vmem>>, vector<1x1024x32xf32>
    %get3A_474 = vector.shape_cast %get3A_473 : vector<1x1024x32xf32> to vector<1024x32xf32>
    %dot_general3A_475 = arith.constant dense<0.000000e+00> : vector<256x1024xf32>
    %dot_general3A_476 = tpu.matmul %sub3A_464, %get3A_474, %dot_general3A_475 {dimension_numbers = #tpu.dot_dimension_numbers<[1], [1], [0], [0], [0, 0, 1, 0], [], []>, transpose_lhs_hint = false} : vector<256x32xf32>, vector<1024x32xf32>, vector<256x1024xf32> -> vector<256x1024xf32>
    %mul3A_477 = arith.constant 2.000000e+00 : f32
    %mul3A_478 = vector.broadcast %mul3A_477 : f32 to vector<256x1024xf32>
    %mul3A_479 = arith.mulf %mul3A_478, %dot_general3A_476 : vector<256x1024xf32>
    %sub3A_480 = vector.broadcast %broadcast_in_dim3A_469 : vector<256x1xf32> to vector<256x1024xf32>
    %sub3A_481 = arith.subf %sub3A_480, %mul3A_479 : vector<256x1024xf32>
    %get3A_482 = arith.constant 1 : index
    %get3A_483 = arith.constant 0 : index
    %get3A_484 = arith.constant 0 : index
    %get3A_485 = vector.load %arg10[%get3A_482, %get3A_483, %get3A_484] : memref<4x1x1024xf32, #tpu.memory_space<vmem>>, vector<1x1x1024xf32>
    %get3A_486 = vector.shape_cast %get3A_485 : vector<1x1x1024xf32> to vector<1x1024xf32>
    %add3A_487 = vector.broadcast %get3A_486 : vector<1x1024xf32> to vector<256x1024xf32>
    %add3A_488 = arith.addf %sub3A_481, %add3A_487 : vector<256x1024xf32>
    %reduce_min3A_489 = arith.constant dense<0x7F800000> : vector<256xf32>
    %reduce_min3A_490 = vector.multi_reduction <minimumf>, %add3A_488, %reduce_min3A_489 [1] : vector<256x1024xf32> to vector<256xf32>
    %broadcast_in_dim3A_491 = vector.shape_cast %reduce_min3A_490 : vector<256xf32> to vector<256x1xf32>
    %eq3A_492 = vector.broadcast %broadcast_in_dim3A_491 : vector<256x1xf32> to vector<256x1024xf32>
    %eq3A_493 = arith.cmpf oeq, %add3A_488, %eq3A_492 : vector<256x1024xf32>
    %jit3A_494 = arith.constant 1024 : i32
    %broadcast_in_dim3A_495 = vector.broadcast %jit3A_494 : i32 to vector<256x1024xi32>
    %select_n3A_496 = arith.select %eq3A_493, %iota3A, %broadcast_in_dim3A_495 : vector<256x1024xi1>, vector<256x1024xi32>
    %reduce_min3A_497 = arith.constant dense<2147483647> : vector<256xi32>
    %reduce_min3A_498 = vector.multi_reduction <minsi>, %select_n3A_496, %reduce_min3A_497 [1] : vector<256x1024xi32> to vector<256xi32>
    %broadcast_in_dim3A_499 = vector.shape_cast %reduce_min3A_498 : vector<256xi32> to vector<256x1xi32>
    %sub3A_500 = vector.broadcast %broadcast_in_dim3A_491 : vector<256x1xf32> to vector<256x1024xf32>
    %sub3A_501 = arith.subf %sub3A_500, %add3A_488 : vector<256x1024xf32>
    %exp3A_502 = math.exp %sub3A_501 : vector<256x1024xf32>
    %reduce_sum3A_503 = arith.constant dense<0.000000e+00> : vector<256xf32>
    %reduce_sum3A_504 = vector.multi_reduction <add>, %exp3A_502, %reduce_sum3A_503 [1] : vector<256x1024xf32> to vector<256xf32>
    %broadcast_in_dim3A_505 = vector.shape_cast %reduce_sum3A_504 : vector<256xf32> to vector<256x1xf32>
    %div3A_506 = arith.constant 1.000000e+00 : f32
    %div3A_507 = vector.broadcast %div3A_506 : f32 to vector<256x1xf32>
    %div3A_508 = arith.divf %div3A_507, %broadcast_in_dim3A_505 : vector<256x1xf32>
    %mul3A_509 = vector.broadcast %div3A_508 : vector<256x1xf32> to vector<256x1024xf32>
    %mul3A_510 = arith.mulf %exp3A_502, %mul3A_509 : vector<256x1024xf32>
    %swap3A_511 = arith.constant 256 : index
    %swap3A_512 = arith.constant 0 : index
    %swap3A_513 = vector.load %arg5[%swap3A_511, %swap3A_512] : memref<512x1024xf32, #tpu.memory_space<vmem>>, vector<256x1024xf32>
    tpu.vector_store %arg5[%swap3A_511, %swap3A_512], %mul3A_510 {strides = array<i32>} : memref<512x1024xf32, #tpu.memory_space<vmem>>, vector<256x1024xf32>,
    %swap3A_514 = arith.constant 256 : index
    %swap3A_515 = arith.constant 1 : index
    %swap3A_516 = vector.load %arg3[%swap3A_514, %swap3A_515] : memref<512x4xi32, #tpu.memory_space<vmem>>, vector<256x1xi32>
    tpu.vector_store %arg3[%swap3A_514, %swap3A_515], %broadcast_in_dim3A_499 {strides = array<i32>} : memref<512x4xi32, #tpu.memory_space<vmem>>, vector<256x1xi32>,
    %mul3A_517 = arith.constant 3.125000e-02 : f32
    %mul3A_518 = vector.broadcast %mul3A_517 : f32 to vector<256x1xf32>
    %mul3A_519 = arith.mulf %broadcast_in_dim3A_491, %mul3A_518 : vector<256x1xf32>
    %mul3A_520 = arith.constant 0.00999999977 : f32
    %mul3A_521 = vector.broadcast %mul3A_520 : f32 to vector<256x1xf32>
    %mul3A_522 = arith.mulf %mul3A_521, %mul3A_519 : vector<256x1xf32>
    %add3A_523 = arith.addf %mul3A_519, %mul3A_522 : vector<256x1xf32>
    %swap3A_524 = arith.constant 256 : index
    %swap3A_525 = arith.constant 1 : index
    %swap3A_526 = vector.load %arg9[%swap3A_524, %swap3A_525] : memref<512x4xf32, #tpu.memory_space<vmem>>, vector<256x1xf32>
    tpu.vector_store %arg9[%swap3A_524, %swap3A_525], %add3A_523 {strides = array<i32>} : memref<512x4xf32, #tpu.memory_space<vmem>>, vector<256x1xf32>,
    %eq3A_527 = vector.broadcast %broadcast_in_dim3A_499 : vector<256x1xi32> to vector<256x1024xi32>
    %eq3A_528 = arith.cmpi eq, %iota3A, %eq3A_527 : vector<256x1024xi32>
    %convert_element_type3A_529 = arith.extui %eq3A_528 : vector<256x1024xi1> to vector<256x1024xi32>
    %convert_element_type3A_530 = arith.sitofp %convert_element_type3A_529 : vector<256x1024xi32> to vector<256x1024xf32>
    %convert_element_type3A_531 = arith.truncf %convert_element_type3A_530 : vector<256x1024xf32> to vector<256x1024xbf16>
    %get3A_532 = arith.constant 1 : index
    %get3A_533 = arith.constant 0 : index
    %get3A_534 = arith.constant 0 : index
    %get3A_535 = vector.load %arg11[%get3A_532, %get3A_533, %get3A_534] : memref<4x1024x32xbf16, #tpu.memory_space<vmem>>, vector<1x1024x32xbf16>
    %get3A_536 = vector.shape_cast %get3A_535 : vector<1x1024x32xbf16> to vector<1024x32xbf16>
    %dot_general3A_537 = arith.constant dense<0.000000e+00> : vector<256x32xf32>
    %dot_general3A_538 = tpu.matmul %convert_element_type3A_531, %get3A_536, %dot_general3A_537 {dimension_numbers = #tpu.dot_dimension_numbers<[1], [0], [0], [1], [0, 0, 1, 1], [], []>, transpose_lhs_hint = false} : vector<256x1024xbf16>, vector<1024x32xbf16>, vector<256x32xf32> -> vector<256x32xf32>
    %get3A_539 = arith.constant 1 : index
    %get3A_540 = arith.constant 0 : index
    %get3A_541 = arith.constant 0 : index
    %get3A_542 = vector.load %arg12[%get3A_539, %get3A_540, %get3A_541] : memref<4x1024x32xbf16, #tpu.memory_space<vmem>>, vector<1x1024x32xbf16>
    %get3A_543 = vector.shape_cast %get3A_542 : vector<1x1024x32xbf16> to vector<1024x32xbf16>
    %dot_general3A_544 = arith.constant dense<0.000000e+00> : vector<256x32xf32>
    %dot_general3A_545 = tpu.matmul %convert_element_type3A_531, %get3A_543, %dot_general3A_544 {dimension_numbers = #tpu.dot_dimension_numbers<[1], [0], [0], [1], [0, 0, 1, 1], [], []>, transpose_lhs_hint = false} : vector<256x1024xbf16>, vector<1024x32xbf16>, vector<256x32xf32> -> vector<256x32xf32>
    %add3A_546 = arith.addf %dot_general3A_538, %dot_general3A_545 : vector<256x32xf32>
    %get3A_547 = arith.constant 1 : index
    %get3A_548 = arith.constant 0 : index
    %get3A_549 = arith.constant 0 : index
    %get3A_550 = vector.load %arg13[%get3A_547, %get3A_548, %get3A_549] : memref<4x1024x32xbf16, #tpu.memory_space<vmem>>, vector<1x1024x32xbf16>
    %get3A_551 = vector.shape_cast %get3A_550 : vector<1x1024x32xbf16> to vector<1024x32xbf16>
    %dot_general3A_552 = arith.constant dense<0.000000e+00> : vector<256x32xf32>
    %dot_general3A_553 = tpu.matmul %convert_element_type3A_531, %get3A_551, %dot_general3A_552 {dimension_numbers = #tpu.dot_dimension_numbers<[1], [0], [0], [1], [0, 0, 1, 1], [], []>, transpose_lhs_hint = false} : vector<256x1024xbf16>, vector<1024x32xbf16>, vector<256x32xf32> -> vector<256x32xf32>
    %add3A_554 = arith.addf %add3A_546, %dot_general3A_553 : vector<256x32xf32>
    %sub3A_555 = arith.subf %add3A_554, %sub3A_464 : vector<256x32xf32>
    %add3A_556 = arith.addf %sub3A_464, %sub3A_555 : vector<256x32xf32>
    %sub3A_557 = arith.subf %sub3A_464, %add3A_556 : vector<256x32xf32>
    %add3A_558 = arith.addf %add3A_465, %add3A_556 : vector<256x32xf32>
    %mul3A_559 = arith.mulf %sub3A_557, %sub3A_557 : vector<256x32xf32>
    %reduce_sum3A_560 = arith.constant dense<0.000000e+00> : vector<256xf32>
    %reduce_sum3A_561 = vector.multi_reduction <add>, %mul3A_559, %reduce_sum3A_560 [1] : vector<256x32xf32> to vector<256xf32>
    %broadcast_in_dim3A_562 = vector.shape_cast %reduce_sum3A_561 : vector<256xf32> to vector<256x1xf32>
    %get3A_563 = arith.constant 2 : index
    %get3A_564 = arith.constant 0 : index
    %get3A_565 = arith.constant 0 : index
    %get3A_566 = vector.load %arg2[%get3A_563, %get3A_564, %get3A_565] : memref<4x1024x32xf32, #tpu.memory_space<vmem>>, vector<1x1024x32xf32>
    %get3A_567 = vector.shape_cast %get3A_566 : vector<1x1024x32xf32> to vector<1024x32xf32>
    %dot_general3A_568 = arith.constant dense<0.000000e+00> : vector<256x1024xf32>
    %dot_general3A_569 = tpu.matmul %sub3A_557, %get3A_567, %dot_general3A_568 {dimension_numbers = #tpu.dot_dimension_numbers<[1], [1], [0], [0], [0, 0, 1, 0], [], []>, transpose_lhs_hint = false} : vector<256x32xf32>, vector<1024x32xf32>, vector<256x1024xf32> -> vector<256x1024xf32>
    %mul3A_570 = arith.constant 2.000000e+00 : f32
    %mul3A_571 = vector.broadcast %mul3A_570 : f32 to vector<256x1024xf32>
    %mul3A_572 = arith.mulf %mul3A_571, %dot_general3A_569 : vector<256x1024xf32>
    %sub3A_573 = vector.broadcast %broadcast_in_dim3A_562 : vector<256x1xf32> to vector<256x1024xf32>
    %sub3A_574 = arith.subf %sub3A_573, %mul3A_572 : vector<256x1024xf32>
    %get3A_575 = arith.constant 2 : index
    %get3A_576 = arith.constant 0 : index
    %get3A_577 = arith.constant 0 : index
    %get3A_578 = vector.load %arg10[%get3A_575, %get3A_576, %get3A_577] : memref<4x1x1024xf32, #tpu.memory_space<vmem>>, vector<1x1x1024xf32>
    %get3A_579 = vector.shape_cast %get3A_578 : vector<1x1x1024xf32> to vector<1x1024xf32>
    %add3A_580 = vector.broadcast %get3A_579 : vector<1x1024xf32> to vector<256x1024xf32>
    %add3A_581 = arith.addf %sub3A_574, %add3A_580 : vector<256x1024xf32>
    %reduce_min3A_582 = arith.constant dense<0x7F800000> : vector<256xf32>
    %reduce_min3A_583 = vector.multi_reduction <minimumf>, %add3A_581, %reduce_min3A_582 [1] : vector<256x1024xf32> to vector<256xf32>
    %broadcast_in_dim3A_584 = vector.shape_cast %reduce_min3A_583 : vector<256xf32> to vector<256x1xf32>
    %eq3A_585 = vector.broadcast %broadcast_in_dim3A_584 : vector<256x1xf32> to vector<256x1024xf32>
    %eq3A_586 = arith.cmpf oeq, %add3A_581, %eq3A_585 : vector<256x1024xf32>
    %jit3A_587 = arith.constant 1024 : i32
    %broadcast_in_dim3A_588 = vector.broadcast %jit3A_587 : i32 to vector<256x1024xi32>
    %select_n3A_589 = arith.select %eq3A_586, %iota3A, %broadcast_in_dim3A_588 : vector<256x1024xi1>, vector<256x1024xi32>
    %reduce_min3A_590 = arith.constant dense<2147483647> : vector<256xi32>
    %reduce_min3A_591 = vector.multi_reduction <minsi>, %select_n3A_589, %reduce_min3A_590 [1] : vector<256x1024xi32> to vector<256xi32>
    %broadcast_in_dim3A_592 = vector.shape_cast %reduce_min3A_591 : vector<256xi32> to vector<256x1xi32>
    %sub3A_593 = vector.broadcast %broadcast_in_dim3A_584 : vector<256x1xf32> to vector<256x1024xf32>
    %sub3A_594 = arith.subf %sub3A_593, %add3A_581 : vector<256x1024xf32>
    %exp3A_595 = math.exp %sub3A_594 : vector<256x1024xf32>
    %reduce_sum3A_596 = arith.constant dense<0.000000e+00> : vector<256xf32>
    %reduce_sum3A_597 = vector.multi_reduction <add>, %exp3A_595, %reduce_sum3A_596 [1] : vector<256x1024xf32> to vector<256xf32>
    %broadcast_in_dim3A_598 = vector.shape_cast %reduce_sum3A_597 : vector<256xf32> to vector<256x1xf32>
    %div3A_599 = arith.constant 1.000000e+00 : f32
    %div3A_600 = vector.broadcast %div3A_599 : f32 to vector<256x1xf32>
    %div3A_601 = arith.divf %div3A_600, %broadcast_in_dim3A_598 : vector<256x1xf32>
    %mul3A_602 = vector.broadcast %div3A_601 : vector<256x1xf32> to vector<256x1024xf32>
    %mul3A_603 = arith.mulf %exp3A_595, %mul3A_602 : vector<256x1024xf32>
    %swap3A_604 = arith.constant 256 : index
    %swap3A_605 = arith.constant 0 : index
    %swap3A_606 = vector.load %arg6[%swap3A_604, %swap3A_605] : memref<512x1024xf32, #tpu.memory_space<vmem>>, vector<256x1024xf32>
    tpu.vector_store %arg6[%swap3A_604, %swap3A_605], %mul3A_603 {strides = array<i32>} : memref<512x1024xf32, #tpu.memory_space<vmem>>, vector<256x1024xf32>,
    %swap3A_607 = arith.constant 256 : index
    %swap3A_608 = arith.constant 2 : index
    %swap3A_609 = vector.load %arg3[%swap3A_607, %swap3A_608] : memref<512x4xi32, #tpu.memory_space<vmem>>, vector<256x1xi32>
    tpu.vector_store %arg3[%swap3A_607, %swap3A_608], %broadcast_in_dim3A_592 {strides = array<i32>} : memref<512x4xi32, #tpu.memory_space<vmem>>, vector<256x1xi32>,
    %mul3A_610 = arith.constant 3.125000e-02 : f32
    %mul3A_611 = vector.broadcast %mul3A_610 : f32 to vector<256x1xf32>
    %mul3A_612 = arith.mulf %broadcast_in_dim3A_584, %mul3A_611 : vector<256x1xf32>
    %mul3A_613 = arith.constant 0.00999999977 : f32
    %mul3A_614 = vector.broadcast %mul3A_613 : f32 to vector<256x1xf32>
    %mul3A_615 = arith.mulf %mul3A_614, %mul3A_612 : vector<256x1xf32>
    %add3A_616 = arith.addf %mul3A_612, %mul3A_615 : vector<256x1xf32>
    %swap3A_617 = arith.constant 256 : index
    %swap3A_618 = arith.constant 2 : index
    %swap3A_619 = vector.load %arg9[%swap3A_617, %swap3A_618] : memref<512x4xf32, #tpu.memory_space<vmem>>, vector<256x1xf32>
    tpu.vector_store %arg9[%swap3A_617, %swap3A_618], %add3A_616 {strides = array<i32>} : memref<512x4xf32, #tpu.memory_space<vmem>>, vector<256x1xf32>,
    %eq3A_620 = vector.broadcast %broadcast_in_dim3A_592 : vector<256x1xi32> to vector<256x1024xi32>
    %eq3A_621 = arith.cmpi eq, %iota3A, %eq3A_620 : vector<256x1024xi32>
    %convert_element_type3A_622 = arith.extui %eq3A_621 : vector<256x1024xi1> to vector<256x1024xi32>
    %convert_element_type3A_623 = arith.sitofp %convert_element_type3A_622 : vector<256x1024xi32> to vector<256x1024xf32>
    %convert_element_type3A_624 = arith.truncf %convert_element_type3A_623 : vector<256x1024xf32> to vector<256x1024xbf16>
    %get3A_625 = arith.constant 2 : index
    %get3A_626 = arith.constant 0 : index
    %get3A_627 = arith.constant 0 : index
    %get3A_628 = vector.load %arg11[%get3A_625, %get3A_626, %get3A_627] : memref<4x1024x32xbf16, #tpu.memory_space<vmem>>, vector<1x1024x32xbf16>
    %get3A_629 = vector.shape_cast %get3A_628 : vector<1x1024x32xbf16> to vector<1024x32xbf16>
    %dot_general3A_630 = arith.constant dense<0.000000e+00> : vector<256x32xf32>
    %dot_general3A_631 = tpu.matmul %convert_element_type3A_624, %get3A_629, %dot_general3A_630 {dimension_numbers = #tpu.dot_dimension_numbers<[1], [0], [0], [1], [0, 0, 1, 1], [], []>, transpose_lhs_hint = false} : vector<256x1024xbf16>, vector<1024x32xbf16>, vector<256x32xf32> -> vector<256x32xf32>
    %get3A_632 = arith.constant 2 : index
    %get3A_633 = arith.constant 0 : index
    %get3A_634 = arith.constant 0 : index
    %get3A_635 = vector.load %arg12[%get3A_632, %get3A_633, %get3A_634] : memref<4x1024x32xbf16, #tpu.memory_space<vmem>>, vector<1x1024x32xbf16>
    %get3A_636 = vector.shape_cast %get3A_635 : vector<1x1024x32xbf16> to vector<1024x32xbf16>
    %dot_general3A_637 = arith.constant dense<0.000000e+00> : vector<256x32xf32>
    %dot_general3A_638 = tpu.matmul %convert_element_type3A_624, %get3A_636, %dot_general3A_637 {dimension_numbers = #tpu.dot_dimension_numbers<[1], [0], [0], [1], [0, 0, 1, 1], [], []>, transpose_lhs_hint = false} : vector<256x1024xbf16>, vector<1024x32xbf16>, vector<256x32xf32> -> vector<256x32xf32>
    %add3A_639 = arith.addf %dot_general3A_631, %dot_general3A_638 : vector<256x32xf32>
    %get3A_640 = arith.constant 2 : index
    %get3A_641 = arith.constant 0 : index
    %get3A_642 = arith.constant 0 : index
    %get3A_643 = vector.load %arg13[%get3A_640, %get3A_641, %get3A_642] : memref<4x1024x32xbf16, #tpu.memory_space<vmem>>, vector<1x1024x32xbf16>
    %get3A_644 = vector.shape_cast %get3A_643 : vector<1x1024x32xbf16> to vector<1024x32xbf16>
    %dot_general3A_645 = arith.constant dense<0.000000e+00> : vector<256x32xf32>
    %dot_general3A_646 = tpu.matmul %convert_element_type3A_624, %get3A_644, %dot_general3A_645 {dimension_numbers = #tpu.dot_dimension_numbers<[1], [0], [0], [1], [0, 0, 1, 1], [], []>, transpose_lhs_hint = false} : vector<256x1024xbf16>, vector<1024x32xbf16>, vector<256x32xf32> -> vector<256x32xf32>
    %add3A_647 = arith.addf %add3A_639, %dot_general3A_646 : vector<256x32xf32>
    %sub3A_648 = arith.subf %add3A_647, %sub3A_557 : vector<256x32xf32>
    %add3A_649 = arith.addf %sub3A_557, %sub3A_648 : vector<256x32xf32>
    %sub3A_650 = arith.subf %sub3A_557, %add3A_649 : vector<256x32xf32>
    %add3A_651 = arith.addf %add3A_558, %add3A_649 : vector<256x32xf32>
    %mul3A_652 = arith.mulf %sub3A_650, %sub3A_650 : vector<256x32xf32>
    %reduce_sum3A_653 = arith.constant dense<0.000000e+00> : vector<256xf32>
    %reduce_sum3A_654 = vector.multi_reduction <add>, %mul3A_652, %reduce_sum3A_653 [1] : vector<256x32xf32> to vector<256xf32>
    %broadcast_in_dim3A_655 = vector.shape_cast %reduce_sum3A_654 : vector<256xf32> to vector<256x1xf32>
    %get3A_656 = arith.constant 3 : index
    %get3A_657 = arith.constant 0 : index
    %get3A_658 = arith.constant 0 : index
    %get3A_659 = vector.load %arg2[%get3A_656, %get3A_657, %get3A_658] : memref<4x1024x32xf32, #tpu.memory_space<vmem>>, vector<1x1024x32xf32>
    %get3A_660 = vector.shape_cast %get3A_659 : vector<1x1024x32xf32> to vector<1024x32xf32>
    %dot_general3A_661 = arith.constant dense<0.000000e+00> : vector<256x1024xf32>
    %dot_general3A_662 = tpu.matmul %sub3A_650, %get3A_660, %dot_general3A_661 {dimension_numbers = #tpu.dot_dimension_numbers<[1], [1], [0], [0], [0, 0, 1, 0], [], []>, transpose_lhs_hint = false} : vector<256x32xf32>, vector<1024x32xf32>, vector<256x1024xf32> -> vector<256x1024xf32>
    %mul3A_663 = arith.constant 2.000000e+00 : f32
    %mul3A_664 = vector.broadcast %mul3A_663 : f32 to vector<256x1024xf32>
    %mul3A_665 = arith.mulf %mul3A_664, %dot_general3A_662 : vector<256x1024xf32>
    %sub3A_666 = vector.broadcast %broadcast_in_dim3A_655 : vector<256x1xf32> to vector<256x1024xf32>
    %sub3A_667 = arith.subf %sub3A_666, %mul3A_665 : vector<256x1024xf32>
    %get3A_668 = arith.constant 3 : index
    %get3A_669 = arith.constant 0 : index
    %get3A_670 = arith.constant 0 : index
    %get3A_671 = vector.load %arg10[%get3A_668, %get3A_669, %get3A_670] : memref<4x1x1024xf32, #tpu.memory_space<vmem>>, vector<1x1x1024xf32>
    %get3A_672 = vector.shape_cast %get3A_671 : vector<1x1x1024xf32> to vector<1x1024xf32>
    %add3A_673 = vector.broadcast %get3A_672 : vector<1x1024xf32> to vector<256x1024xf32>
    %add3A_674 = arith.addf %sub3A_667, %add3A_673 : vector<256x1024xf32>
    %reduce_min3A_675 = arith.constant dense<0x7F800000> : vector<256xf32>
    %reduce_min3A_676 = vector.multi_reduction <minimumf>, %add3A_674, %reduce_min3A_675 [1] : vector<256x1024xf32> to vector<256xf32>
    %broadcast_in_dim3A_677 = vector.shape_cast %reduce_min3A_676 : vector<256xf32> to vector<256x1xf32>
    %eq3A_678 = vector.broadcast %broadcast_in_dim3A_677 : vector<256x1xf32> to vector<256x1024xf32>
    %eq3A_679 = arith.cmpf oeq, %add3A_674, %eq3A_678 : vector<256x1024xf32>
    %jit3A_680 = arith.constant 1024 : i32
    %broadcast_in_dim3A_681 = vector.broadcast %jit3A_680 : i32 to vector<256x1024xi32>
    %select_n3A_682 = arith.select %eq3A_679, %iota3A, %broadcast_in_dim3A_681 : vector<256x1024xi1>, vector<256x1024xi32>
    %reduce_min3A_683 = arith.constant dense<2147483647> : vector<256xi32>
    %reduce_min3A_684 = vector.multi_reduction <minsi>, %select_n3A_682, %reduce_min3A_683 [1] : vector<256x1024xi32> to vector<256xi32>
    %broadcast_in_dim3A_685 = vector.shape_cast %reduce_min3A_684 : vector<256xi32> to vector<256x1xi32>
    %sub3A_686 = vector.broadcast %broadcast_in_dim3A_677 : vector<256x1xf32> to vector<256x1024xf32>
    %sub3A_687 = arith.subf %sub3A_686, %add3A_674 : vector<256x1024xf32>
    %exp3A_688 = math.exp %sub3A_687 : vector<256x1024xf32>
    %reduce_sum3A_689 = arith.constant dense<0.000000e+00> : vector<256xf32>
    %reduce_sum3A_690 = vector.multi_reduction <add>, %exp3A_688, %reduce_sum3A_689 [1] : vector<256x1024xf32> to vector<256xf32>
    %broadcast_in_dim3A_691 = vector.shape_cast %reduce_sum3A_690 : vector<256xf32> to vector<256x1xf32>
    %div3A_692 = arith.constant 1.000000e+00 : f32
    %div3A_693 = vector.broadcast %div3A_692 : f32 to vector<256x1xf32>
    %div3A_694 = arith.divf %div3A_693, %broadcast_in_dim3A_691 : vector<256x1xf32>
    %mul3A_695 = vector.broadcast %div3A_694 : vector<256x1xf32> to vector<256x1024xf32>
    %mul3A_696 = arith.mulf %exp3A_688, %mul3A_695 : vector<256x1024xf32>
    %swap3A_697 = arith.constant 256 : index
    %swap3A_698 = arith.constant 0 : index
    %swap3A_699 = vector.load %arg7[%swap3A_697, %swap3A_698] : memref<512x1024xf32, #tpu.memory_space<vmem>>, vector<256x1024xf32>
    tpu.vector_store %arg7[%swap3A_697, %swap3A_698], %mul3A_696 {strides = array<i32>} : memref<512x1024xf32, #tpu.memory_space<vmem>>, vector<256x1024xf32>,
    %swap3A_700 = arith.constant 256 : index
    %swap3A_701 = arith.constant 3 : index
    %swap3A_702 = vector.load %arg3[%swap3A_700, %swap3A_701] : memref<512x4xi32, #tpu.memory_space<vmem>>, vector<256x1xi32>
    tpu.vector_store %arg3[%swap3A_700, %swap3A_701], %broadcast_in_dim3A_685 {strides = array<i32>} : memref<512x4xi32, #tpu.memory_space<vmem>>, vector<256x1xi32>,
    %mul3A_703 = arith.constant 3.125000e-02 : f32
    %mul3A_704 = vector.broadcast %mul3A_703 : f32 to vector<256x1xf32>
    %mul3A_705 = arith.mulf %broadcast_in_dim3A_677, %mul3A_704 : vector<256x1xf32>
    %mul3A_706 = arith.constant 0.00999999977 : f32
    %mul3A_707 = vector.broadcast %mul3A_706 : f32 to vector<256x1xf32>
    %mul3A_708 = arith.mulf %mul3A_707, %mul3A_705 : vector<256x1xf32>
    %add3A_709 = arith.addf %mul3A_705, %mul3A_708 : vector<256x1xf32>
    %swap3A_710 = arith.constant 256 : index
    %swap3A_711 = arith.constant 3 : index
    %swap3A_712 = vector.load %arg9[%swap3A_710, %swap3A_711] : memref<512x4xf32, #tpu.memory_space<vmem>>, vector<256x1xf32>
    tpu.vector_store %arg9[%swap3A_710, %swap3A_711], %add3A_709 {strides = array<i32>} : memref<512x4xf32, #tpu.memory_space<vmem>>, vector<256x1xf32>,
    %eq3A_713 = vector.broadcast %broadcast_in_dim3A_685 : vector<256x1xi32> to vector<256x1024xi32>
    %eq3A_714 = arith.cmpi eq, %iota3A, %eq3A_713 : vector<256x1024xi32>
    %convert_element_type3A_715 = arith.extui %eq3A_714 : vector<256x1024xi1> to vector<256x1024xi32>
    %convert_element_type3A_716 = arith.sitofp %convert_element_type3A_715 : vector<256x1024xi32> to vector<256x1024xf32>
    %convert_element_type3A_717 = arith.truncf %convert_element_type3A_716 : vector<256x1024xf32> to vector<256x1024xbf16>
    %get3A_718 = arith.constant 3 : index
    %get3A_719 = arith.constant 0 : index
    %get3A_720 = arith.constant 0 : index
    %get3A_721 = vector.load %arg11[%get3A_718, %get3A_719, %get3A_720] : memref<4x1024x32xbf16, #tpu.memory_space<vmem>>, vector<1x1024x32xbf16>
    %get3A_722 = vector.shape_cast %get3A_721 : vector<1x1024x32xbf16> to vector<1024x32xbf16>
    %dot_general3A_723 = arith.constant dense<0.000000e+00> : vector<256x32xf32>
    %dot_general3A_724 = tpu.matmul %convert_element_type3A_717, %get3A_722, %dot_general3A_723 {dimension_numbers = #tpu.dot_dimension_numbers<[1], [0], [0], [1], [0, 0, 1, 1], [], []>, transpose_lhs_hint = false} : vector<256x1024xbf16>, vector<1024x32xbf16>, vector<256x32xf32> -> vector<256x32xf32>
    %get3A_725 = arith.constant 3 : index
    %get3A_726 = arith.constant 0 : index
    %get3A_727 = arith.constant 0 : index
    %get3A_728 = vector.load %arg12[%get3A_725, %get3A_726, %get3A_727] : memref<4x1024x32xbf16, #tpu.memory_space<vmem>>, vector<1x1024x32xbf16>
    %get3A_729 = vector.shape_cast %get3A_728 : vector<1x1024x32xbf16> to vector<1024x32xbf16>
    %dot_general3A_730 = arith.constant dense<0.000000e+00> : vector<256x32xf32>
    %dot_general3A_731 = tpu.matmul %convert_element_type3A_717, %get3A_729, %dot_general3A_730 {dimension_numbers = #tpu.dot_dimension_numbers<[1], [0], [0], [1], [0, 0, 1, 1], [], []>, transpose_lhs_hint = false} : vector<256x1024xbf16>, vector<1024x32xbf16>, vector<256x32xf32> -> vector<256x32xf32>
    %add3A_732 = arith.addf %dot_general3A_724, %dot_general3A_731 : vector<256x32xf32>
    %get3A_733 = arith.constant 3 : index
    %get3A_734 = arith.constant 0 : index
    %get3A_735 = arith.constant 0 : index
    %get3A_736 = vector.load %arg13[%get3A_733, %get3A_734, %get3A_735] : memref<4x1024x32xbf16, #tpu.memory_space<vmem>>, vector<1x1024x32xbf16>
    %get3A_737 = vector.shape_cast %get3A_736 : vector<1x1024x32xbf16> to vector<1024x32xbf16>
    %dot_general3A_738 = arith.constant dense<0.000000e+00> : vector<256x32xf32>
    %dot_general3A_739 = tpu.matmul %convert_element_type3A_717, %get3A_737, %dot_general3A_738 {dimension_numbers = #tpu.dot_dimension_numbers<[1], [0], [0], [1], [0, 0, 1, 1], [], []>, transpose_lhs_hint = false} : vector<256x1024xbf16>, vector<1024x32xbf16>, vector<256x32xf32> -> vector<256x32xf32>
    %add3A_740 = arith.addf %add3A_732, %dot_general3A_739 : vector<256x32xf32>
    %sub3A_741 = arith.subf %add3A_740, %sub3A_650 : vector<256x32xf32>
    %add3A_742 = arith.addf %sub3A_650, %sub3A_741 : vector<256x32xf32>
    %add3A_743 = arith.addf %add3A_651, %add3A_742 : vector<256x32xf32>
    %swap3A_744 = arith.constant 256 : index
    %swap3A_745 = arith.constant 0 : index
    %swap3A_746 = vector.load %arg8[%swap3A_744, %swap3A_745] : memref<512x32xf32, #tpu.memory_space<vmem>>, vector<256x32xf32>
    tpu.vector_store %arg8[%swap3A_744, %swap3A_745], %add3A_743 {strides = array<i32>} : memref<512x32xf32, #tpu.memory_space<vmem>>, vector<256x32xf32>,
    return
  }
  func.func @transform_0(%arg0: i32) -> (i32, i32) {
    %c0_i32 = arith.constant 0 : i32
    %c0_i32_0 = arith.constant 0 : i32
    return %arg0, %c0_i32 : i32, i32
  }
  func.func @transform_1(%arg0: i32) -> (i32, i32, i32) {
    %c0_i32 = arith.constant 0 : i32
    %c0_i32_0 = arith.constant 0 : i32
    %c0_i32_1 = arith.constant 0 : i32
    %c0_i32_2 = arith.constant 0 : i32
    return %c0_i32, %c0_i32_0, %c0_i32_1 : i32, i32, i32
  }
  func.func @transform_2(%arg0: i32) -> (i32, i32) {
    %c0_i32 = arith.constant 0 : i32
    %c0_i32_0 = arith.constant 0 : i32
    return %arg0, %c0_i32 : i32, i32
  }
  func.func @transform_3(%arg0: i32) -> (i32, i32) {
    %c0_i32 = arith.constant 0 : i32
    %c0_i32_0 = arith.constant 0 : i32
    return %arg0, %c0_i32 : i32, i32
  }
  func.func @transform_4(%arg0: i32) -> (i32, i32) {
    %c0_i32 = arith.constant 0 : i32
    %c0_i32_0 = arith.constant 0 : i32
    return %arg0, %c0_i32 : i32, i32
  }
  func.func @transform_5(%arg0: i32) -> (i32, i32) {
    %c0_i32 = arith.constant 0 : i32
    %c0_i32_0 = arith.constant 0 : i32
    return %arg0, %c0_i32 : i32, i32
  }
  func.func @transform_6(%arg0: i32) -> (i32, i32) {
    %c0_i32 = arith.constant 0 : i32
    %c0_i32_0 = arith.constant 0 : i32
    return %arg0, %c0_i32 : i32, i32
  }
  func.func @transform_7(%arg0: i32) -> (i32, i32) {
    %c0_i32 = arith.constant 0 : i32
    %c0_i32_0 = arith.constant 0 : i32
    return %arg0, %c0_i32 : i32, i32
  }
  func.func @transform_8(%arg0: i32) -> (i32, i32) {
    %c0_i32 = arith.constant 0 : i32
    %c0_i32_0 = arith.constant 0 : i32
    return %arg0, %c0_i32 : i32, i32
  }
}

</mosaic_0001>

<sc_bundles>
// kernel: sparse-core-data-format-call.cloned.1.call-start
scs
called_computation_lowered:
.L_overlay_start_0:
0x0: {  	s2 =	sld [smem:$0x3FD9]  }
0x1: {  	s3 =	sld [smem:$0x3FFE];
	_ =	sdelay $0x1  }
0x2: {  	s1 =	srdreg.scid  }
0x3: {  	s0 =	sand.u32 $0x1, s1  }
0x4: {  	s15 =	sshll.u32 s0, $0xA;
	s2 =	sadd.s32 s3, s2  }
0x5: {  	s2 =	sadd.s32 s2, s15  }
0x6: {  	[smem:$0x3FC6] =	sst s2  }
0x7: {  	_ = 	snop  }
0x8: {  	s2 =	sld [smem:$0x3FD0];
	_ =	sdelay $0x2  }
0x9: {  	s16 =	simm.s32 $0xA;
	s4 =	simm.s32 $0x10  }
0xa: {  	[smem:s4], [sflag:s16] =	dma.local [hbm:s2], $0x1  }
0xb: {  	_ =	swait.eq [sflag:s16], $0x1  }
0xc: {  	[sflag:s16] =	ssyncset.done $0x0  }
0xd: {  	[sflag:s16] =	ssyncadd.s32 $0xFFFFFFFF  }
0xe: {  	s17 =	sld [smem:$0x11];
	(tm) =	ssettm $0x1  }
0xf: {  	s18 =	sld [smem:$0x3FFB];
	_ =	sdelay $0x3  }
0x10: {  	_ =	strace s18  }
0x11: {  	s3 =	sld [smem:$0x3FFC];
	_ =	sdelay $0x3  }
0x12: {  	_ =	strace s3  }
0x13: {  	s3 =	sld [smem:$0x3FFD];
	_ =	sdelay $0x3  }
0x14: {  	_ =	strace s3  }
0x15: {  	_ =	strace $0x8FFFFFFF  }
0x16: {  	s19 =	sld [smem:$0x3FDB];
	_ =	sdelay $0x1  }
0x17: {  	s20 =	simm.s32 $_scs_section_size  }
0x18: {  	s5 =	simm.s32 $_size__tile_overlayer_lowered;
	s6 =	simm.s32 $_tile_overlayer_lowered  }
0x19: {  	s23 =	simm.s32 $0x1BFF;
	s22 =	sshll.u32 s6, $0x1;
	s3 =	sadd.s32 s20, s19  }
0x1a: {  	s7 =	simm.s32 $0x0;
	s21 =	sshll.u32 s5, $0x1;
	s5 =	sadd.s32 s22, s3  }
0x1b: {  	[timem:s7], [sflag:s23] =	dma.local [hbm:s5], s21  }
0x1c: {  	_ =	swait.ge [sflag:s23], s21  }
0x1d: {  	s4 =	ssub.s32 $0x0, s21;
	[sflag:s23] =	ssyncset.done $0x0  }
0x1e: {  	[sflag:s23] =	ssyncadd.s32 s4;
	_ =	sdelay $0x1  }
0x1f: {  	s24 =	simm.s32 $0x1B8B  }
0x20: {  	_ =	swait.ge [sflag:s24], $0x1  }
0x21: {  	[sflag:s24] =	ssyncset.done $0x0  }
0x22: {  	s26 =	simm.s32 $0x1B8E;
	s25 =	sld [smem:$0x3FFE];
	[sflag:s24] =	ssyncadd.s32 $0xFFFFFFFF  }
0x23: {  	s27 =	simm.s32 $execute0_lowered;
	[smem:$0x3FD2] =	sst s26  }
0x24: {  	s5 =	sshll.u32 s27, $0x1;
	_ =	strace $0x80000046;
	[dreg:$0x1] =	wrdreg $0xFFFFFFFF  }
0x25: {  	s28 =	simm.s32 $_size_execute0_lowered;
	s3 =	sadd.s32 s3, s5;
	[dreg:$0x0] =	wrdreg $0x0  }
0x26: {  	s5 =	sshll.u32 s28, $0x1;
	[dreg:$0x2] =	wrdreg s3  }
0x27: {  	[dreg:$0x3] =	wrdreg s5  }
0x28: {  	[dreg:$0x4] =	wrdreg $0xC0  }
0x29: {  	_ =	task [dreg:s7], $0x5FFFF  }
0x2a: {  	[dreg:$0x1] =	wrdreg $0xFFFFFFFF  }
0x2b: {  	[dreg:$0x0] =	wrdreg $0x60  }
0x2c: {  	[dreg:$0x2] =	wrdreg s25  }
0x2d: {  	[dreg:$0x3] =	wrdreg s17  }
0x2e: {  	[dreg:$0x4] =	wrdreg $0x9  }
0x2f: {  	_ =	task.clear_ibuf [dreg:s7], $0x5FFFF;
	_ =	strace $0x90000046  }
0x30: {  	s29 =	simm.s32 $0x9;
	_ =	strace $0x80000048  }
0x31: {  	_ =	swait.ge [sflag:s29], $0x1  }
0x32: {  	[sflag:s29] =	ssyncadd.s32 $0xFFFFFFFF  }
0x33: {  	_ =	strace $0x90000048  }
0x34: {  	_ =	sfence  }
0x35: {  	s30 =	sld [smem:$0x0];
	_ =	sdelay $0x2  }
0x36: {  	s31 =	sshll.u32 s1, $0xD;
	s1 =	sshrl.u32 s1, $0x2  }
0x37: {  	s3 =	sand.u32 $0x4000, s31;
	s1 =	sadd.s32 s1, s30  }
0x38: {  	s0 =	sor.u32 s3, s0;
	s1 =	sshll.u32 s1, $0x11  }
0x39: {  	s0 =	sor.u32 s1, s0  }
0x3a: {  	s0 =	sadd.s32 $0x8F2B, s0  }
0x3b: {  	[sflag:s0] =	ssyncadd.remote.s32 $0x1  }
0x3c: {  	_ =	sfence.sel $0xFFFF  }
0x3d: {  	[dreg:$0x0] =	wrdreg $0xFFFFFFFF;
	(pc) =	sbr.abs _section_cstart, $3  }
0x3e: {  	[dreg:$0x1] =	wrdreg $0xFFFFFFFF  }
0x3f: {  	_ =	task.clear_ibuf [dreg:s7], $0x2FFFF;
	_ =	strace $0x9FFFFFFF  }
0x40: {  	(tm) =	ssettm $0x7FFFFFFF  }
0x41: {  	_ =	shalt  }
tec
execute0_lowered:
.L_overlay_start_1:
0x0: {  	(tag) =	ssettag $0x1  }
0x1: {  	s0 =	stileid.u32;
	s4 =	rddreg [dreg:$0x0]  }
0x2: {  	s1 =	srdreg.scid;
	s3 =	rddreg [dreg:$0x1];
	s7 =	simm.s32 $0x1  }
0x3: {  	s31 =	simm.s32 $0x2;
	s2 =	sshll.u32 s0, $0x5;
	s1 =	sshll.u32 s1, $0x9  }
0x4: {  	s15 =	simm.s32 $0x0;
	s9 =	simm.s32 $0x1000;
	s1 =	sor.u32 s2, s1  }
0x5: {  	s10 =	simm.s32 $0x0;
	s16 =	simm.s32 $0x0;
	s2 =	sand.u32 $0x380, s1  }
0x6: {  	s17 =	simm.s32 $0x0;
	s11 =	simm.s32 $0x0;
	s5 =	ssub.s32 $0x4000, s2  }
0x7: {  	s14 =	simm.s32 $0x0;
	s4 =	sadd.s32 $0x6C1000, s4;
	s6 =	sand.u32 $0x380, s5  }
.Ltmp0:
0x8: {  	s1 =	rddreg [dreg:$0x2];
	p0 =	sne.s32 s6, $0x0;
	(pc) =	sbr.rel .LBB1_1-.Ltmp0, $4  }
0x9: {  	_ =	strace $0x80000047;
	s8 =	sshrl.u32 s5, $0xA;
	s7 =	simm.s32 @!p0 $0x0  }
0xa: {  	s12 =	smov.u32 s2;
	s6 =	simm.s32 $0x1;
	s7 =	sadd.s32 s7, s8  }
0xb: {  	s5 =	sand.u32 $0x3, s0;
	[sflag:s6] =	ssyncpa.u1 $0x0;
	s7 =	sshll.u32 s7, $0x3  }
0xc: {  	s13 =	smov.u32 s5;
	[sflag:s31] =	ssyncpa.u1 $0x0;
	s8 =	sor.u32 $0x1, s7  }
.LBB1_4:
0xd: {  	_ =	sdelay $0x3  }
0xe: {  	[tilespmem:v0+s20+$0xFFFFFFA0 ss:$0x1] =	vst.idx.msk $0xffff, v6  }
0xf: {  	v56 =	vld.idx.msk [tilespmem:v1+s19+$0x30 ss:$0x1], $0xffff;
	[tilespmem:v0+s20+$0xFFFFFFB0 ss:$0x1] =	vst.idx.msk $0xffff, v4  }
0x10: {  	v57 =	vld.idx.msk [tilespmem:v1+s19+$0xFFFFFFC0 ss:$0x1], $0xffff;
	[tilespmem:v0+s20+$0xFFFFFFC0 ss:$0x1] =	vst.idx.msk $0xffff, v2  }
0x11: {  	v58 =	vld.idx.msk [tilespmem:v1+s19+$0xFFFFFFD0 ss:$0x1], $0xffff;
	[tilespmem:v0+s20+$0xFFFFFFD0 ss:$0x1] =	vst.idx.msk $0xffff, v3  }
0x12: {  	v59 =	vld.idx.msk [tilespmem:v1+s19+$0xFFFFFFE0 ss:$0x1], $0xffff;
	[tilespmem:v0+s20+$0xFFFFFFE0 ss:$0x1] =	vst.idx.msk $0xffff, v5  }
0x13: {  	v60 =	vld.idx.msk [tilespmem:v1+s19+$0xFFFFFFF0 ss:$0x1], $0xffff;
	[tilespmem:v0+s20+$0xFFFFFFF0 ss:$0x1] =	vst.idx.msk $0xffff, v7  }
0x14: {  	v61 =	vld.idx.msk [tilespmem:v1+s19+$0x0 ss:$0x1], $0xffff;
	[tilespmem:v0+s19+$0x0 ss:$0x1] =	vst.idx.msk $0xffff, v56  }
0x15: {  	v62 =	vld.idx.msk [tilespmem:v1+s19+$0x10 ss:$0x1], $0xffff;
	[tilespmem:v0+s19+$0xFFFFFF90 ss:$0x1] =	vst.idx.msk $0xffff, v57  }
0x16: {  	s17 =	sshll.u32 s17, $0x7;
	v63 =	vld.idx.msk [tilespmem:v1+s19+$0x20 ss:$0x1], $0xffff;
	s28 =	sand.u32 $0x78, s15;
	s21 =	sshll.u32 s15, $0x2;
	[tilespmem:v0+s19+$0xFFFFFFA0 ss:$0x1] =	vst.idx.msk $0xffff, v58  }
0x17: {  	s16 =	sshll.u32 s16, $0x9;
	s30 =	sshrl.u32 s15, $0x1;
	s17 =	sand.u32 $0x180, s17;
	[tilespmem:v0+s19+$0xFFFFFFB0 ss:$0x1] =	vst.idx.msk $0xffff, v59  }
0x18: {  	s31 =	sand.u32 $0x7, s15;
	s29 =	sand.u32 $0x200, s21;
	s17 =	sor.u32 s17, s28;
	[tilespmem:v0+s19+$0xFFFFFFC0 ss:$0x1] =	vst.idx.msk $0xffff, v60  }
0x19: {  	s20 =	sand.u32 $0x180, s30;
	s16 =	sadd.s32 s3, s16;
	s17 =	sor.u32 s29, s17;
	[tilespmem:v0+s19+$0xFFFFFFD0 ss:$0x1] =	vst.idx.msk $0xffff, v61  }
0x1a: {  	s15 =	sshll.u32 s31, $0x12;
	s16 =	sadd.s32 s20, s16;
	s17 =	sshrl.u32 s17, $0x3;
	[tilespmem:v0+s19+$0xFFFFFFE0 ss:$0x1] =	vst.idx.msk $0xffff, v62  }
0x1b: {  	s15 =	sor.u32 $0x80, s15;
	[tilespmem:v0+s19+$0xFFFFFFF0 ss:$0x1] =	vst.idx.msk $0xffff, v63;
	s16 =	sadd.s32 s17, s16  }
0x1c: {  	[hbm4b:s16+s15] =	stream.strided.scatter [tilespmem:s18], [sflag:$0x2], $0x4000, s9, s15, $0x38;
	[tilespmem:$0x10000] =	vst v63  }
.LBB1_5:
0x1d: {  	s18 =	sadd.s32 $0x80, s11  }
0x1e: {  	s15 =	sadd.s32 $0x400, s12;
	s19 =	smov.u32 s12;
	p1 =	sgt.s32 s18, $0x3FF  }
0x1f: {  	s19 =	smov.u32 @p1 s15  }
0x20: {  	s21 =	smov.u32 s13;
	s15 =	sadd.s32 $0x4, s13;
	p2 =	sgt.s32 s19, $0x3FFF  }
0x21: {  	s21 =	smov.u32 @p2 s15  }
0x22: {  	s18 =	simm.s32 @p1 $0x0;
	p1 =	sgt.s32 s21, $0x3  }
0x23: {  	p0 =	slt.u32 s14, $0x2;
	s21 =	smov.u32 @p1 s5;
	p1 =	sne.s32 s14, s8  }
.Ltmp1:
0x24: {  	s20 =	simm.s32 @!p0 $0x2;
	(pc) =	sbr.rel @!p1 .LBB1_6-.Ltmp1, $4  }
0x25: {  	s16 =	smov.u32 s12;
	s17 =	smov.u32 s13;
	_ =	swait.ge @!p0 [sflag:s20], $0x4000  }
0x26: {  	s10 =	sadd.s32 $0x4000, s10;
	[sflag:s20] =	ssyncset.done @!p0 $0x0;
	s19 =	smov.u32 @p2 s2  }
0x27: {  	s15 =	smov.u32 s11;
	[sflag:s20] =	ssyncadd.s32 @!p0 $0xFFFFC000;
	s11 =	smov.u32 s18  }
0x28: {  	s12 =	smov.u32 s19;
	s14 =	sadd.s32 $0x1, s14;
	s13 =	smov.u32 s21  }
.LBB1_1:
0x29: {  	p0 =	sge.u32 s14, s7  }
0x2a: {  	s31 =	sadd.s32 $0xFFFFFFFF, s14;
	s18 =	sshll.u32 @!p0 s12, $0x7  }
0x2b: {  	s19 =	sxor.u32 @!p0 $0xFFFFFFFF, s14;
	s20 =	sand.u32 @!p0 $0x78, s11;
	s21 =	sand.u32 @!p0 $0x380, s18  }
0x2c: {  	s19 =	sshll.u32 @!p0 s19, $0xE;
	s20 =	sor.u32 @!p0 s20, s21;
	s21 =	sshll.u32 @!p0 s13, $0x15  }
0x2d: {  	s18 =	sand.u32 @!p0 $0x1FFC00, s18;
	s20 =	sshrl.u32 @!p0 s20, $0x3;
	s21 =	sadd.s32 @!p0 s4, s21  }
0x2e: {  	s18 =	sadd.s32 @!p0 s11, s18;
	s20 =	sadd.s32 @!p0 s20, s21;
	s21 =	sand.u32 @!p0 $0x7, s11  }
0x2f: {  	s19 =	sand.u32 @!p0 $0x4000, s19;
	s18 =	sand.u32 @!p0 $0x1FFF80, s18;
	s21 =	sshll.u32 @!p0 s21, $0x12  }
0x30: {  	s18 =	sadd.s32 @!p0 s18, s20;
	s20 =	sor.u32 @!p0 $0x400, s21;
	s21 =	simm.s32 @!p0 $0x2000  }
0x31: {  	[tilespmem:s19], [sflag:$0x1] =	stream.strided.gather @!p0 [hbm4b:s18+s20], $0x4000, s21, s20, $0x38;
	[tilespmem:$0x10000] =	vst v63  }
0x32: {  	p0 =	sge.u32 s31, s7  }
.Ltmp2:
0x33: {  	_ = 	snop;
	(pc) =	sbr.rel @p0 .LBB1_5-.Ltmp2, $1  }
0x34: {  	_ =	sdelay $0x3  }
0x35: {  	s18 =	sand.u32 $0x4000, s10  }
0x36: {  	s19 =	sor.u32 $0x40, s18  }
0x37: {  	v1 =	vmov s19;
	_ =	sdelay $0x1  }
0x38: {  	_ =	swait.ge [sflag:s6], $0x4000  }
0x39: {  	[sflag:s6] =	ssyncset.done $0x0  }
0x3a: {  	s20 =	simm.s32 $0x0;
	[sflag:s6] =	ssyncadd.s32 $0xFFFFC000  }
0x3b: {  	s18 =	sor.u32 $0x8070, s18;
	v7 =	vld.idx.msk [tilespmem:v1+s20+$0x30 ss:$0x1], $0xffff  }
0x3c: {  	v0 =	vmov s18;
	v8 =	vld.idx.msk [tilespmem:v1+s20+$0xFFFFFFC0 ss:$0x1], $0xffff  }
0x3d: {  	v6 =	vld.idx.msk [tilespmem:v1+s20+$0xFFFFFFD0 ss:$0x1], $0xffff  }
0x3e: {  	v4 =	vld.idx.msk [tilespmem:v1+s20+$0xFFFFFFE0 ss:$0x1], $0xffff  }
0x3f: {  	v2 =	vld.idx.msk [tilespmem:v1+s20+$0xFFFFFFF0 ss:$0x1], $0xffff  }
0x40: {  	s31 =	sshll.u32 s14, $0xE;
	v3 =	vld.idx.msk [tilespmem:v1+s20+$0x0 ss:$0x1], $0xffff  }
0x41: {  	s18 =	sand.u32 $0x4000, s31;
	v5 =	vld.idx.msk [tilespmem:v1+s20+$0x10 ss:$0x1], $0xffff;
	[tilespmem:v0+s20+$0x0 ss:$0x1] =	vst.idx.msk $0xffff, v7  }
0x42: {  	s21 =	simm.s32 $0x400;
	s19 =	simm.s32 $0x80;
	s18 =	sor.u32 $0x8000, s18;
	[tilespmem:v0+s20+$0xFFFFFF90 ss:$0x1] =	vst.idx.msk $0xffff, v8;
	v7 =	vld.idx.msk [tilespmem:v1+s20+$0x20 ss:$0x1], $0xffff  }
.LBB1_3:
0x43: {  	p0 =	sne.s32 s21, $0xFE00;
	v8 =	vld.idx.msk [tilespmem:v1+s19+$0x30 ss:$0x1], $0xffff;
	[tilespmem:v0+s20+$0xFFFFFFA0 ss:$0x1] =	vst.idx.msk $0xffff, v6  }
0x44: {  	v9 =	vld.idx.msk [tilespmem:v1+s19+$0xFFFFFFC0 ss:$0x1], $0xffff;
	[tilespmem:v0+s20+$0xFFFFFFB0 ss:$0x1] =	vst.idx.msk $0xffff, v4  }
0x45: {  	v6 =	vld.idx.msk [tilespmem:v1+s19+$0xFFFFFFD0 ss:$0x1], $0xffff;
	[tilespmem:v0+s20+$0xFFFFFFC0 ss:$0x1] =	vst.idx.msk $0xffff, v2  }
.Ltmp3:
0x46: {  	v4 =	vld.idx.msk [tilespmem:v1+s19+$0xFFFFFFE0 ss:$0x1], $0xffff;
	[tilespmem:v0+s20+$0xFFFFFFD0 ss:$0x1] =	vst.idx.msk $0xffff, v3;
	(pc) =	sbr.rel @p0 .LBB1_3-.Ltmp3, $4  }
0x47: {  	v2 =	vld.idx.msk [tilespmem:v1+s19+$0xFFFFFFF0 ss:$0x1], $0xffff;
	[tilespmem:v0+s20+$0xFFFFFFE0 ss:$0x1] =	vst.idx.msk $0xffff, v5  }
0x48: {  	v3 =	vld.idx.msk [tilespmem:v1+s19+$0x0 ss:$0x1], $0xffff;
	[tilespmem:v0+s20+$0xFFFFFFF0 ss:$0x1] =	vst.idx.msk $0xffff, v7;
	s20 =	smov.u32 s19  }
0x49: {  	v5 =	vld.idx.msk [tilespmem:v1+s20+$0x10 ss:$0x1], $0xffff;
	[tilespmem:v0+s20+$0x0 ss:$0x1] =	vst.idx.msk $0xffff, v8  }
0x4a: {  	s19 =	sshra.s32 s21, $0x2;
	s21 =	sadd.s32 $0x200, s21;
	[tilespmem:v0+s20+$0xFFFFFF90 ss:$0x1] =	vst.idx.msk $0xffff, v9;
	v7 =	vld.idx.msk [tilespmem:v1+s20+$0x20 ss:$0x1], $0xffff  }
.Ltmp4:
0x4b: {  	_ = 	snop;
	(pc) =	sbr.rel .LBB1_4-.Ltmp4, $1  }
0x4c: {  	_ =	sdelay $0x3  }
.LBB1_6:
0x4d: {  	_ =	sfence.sel $0x180000  }
0x4e: {  	s2 =	simm.s32 $0x1;
	[bflag:$0x0] =	sbarrier.arrive $0xFFFF  }
0x4f: {  	s31 =	simm.s32 $0x2;
	[sflag:s2] =	ssyncpa.u1 $0x1  }
0x50: {  	[sflag:s31] =	ssyncpa.u1 $0x1  }
0x51: {  	p0 =	sne.s32 s0, $0x0;
	_ =	strace $0x90000047  }
0x52: {  	s0 =	sadd.s32 @!p0 $0x100000, s1;
	[bflag:$0x2] =	sbarrier.arrive $0xFFFF  }
0x53: {  	[sflag:s0] =	ssyncadd.tile.s32 @!p0 $0x1;
	_ =	shalt  }
.Lfunc_end1:
_tile_overlayer_lowered:
.L_overlay_start_2:
0x54: {  	(tag) =	ssettag $0x2  }
0x55: {  	s0 =	rddreg [dreg:$0x0];
	s2 =	stileid.u32  }
0x56: {  	s1 =	rddreg [dreg:$0x1];
	p0 =	sne.s32 s2, $0x0  }
0x57: {  	s3 =	rddreg [dreg:$0x2];
	[bflag:$0x3] =	sbarrier.arrive $0xFFFF;
	s2 =	simm.s32 @!p0 $0x1C01  }
0x58: {  	[timem:s3], [sflag:s2] =	dma.local @!p0 [hbm:s0], s1  }
0x59: {  	s0 =	simm.s32 @!p0 $0x1  }
0x5a: {  	_ =	swait.ge @!p0 [sflag:s0], s1  }
0x5b: {  	s1 =	ssub.s32 @!p0 $0x0, s1;
	[sflag:s0] =	ssyncset.done @!p0 $0x0  }
0x5c: {  	[sflag:s0] =	ssyncadd.s32 @!p0 s1  }
0x5d: {  	[bflag:$0x3] =	sbarrier.arrive $0xFFFF  }
0x5e: {  	_ =	shalt  }

</sc_bundles>
